<compile_context>
chip_gen: v7x
topology: tpu7x:2x2x1
jax: 0.10.2.dev20260603
libtpu: 0.0.44.dev20260713+nightly
codegen_flags: <defaults>
</compile_context>

<pallas_src>
import functools

import jax
import jax.numpy as jnp
from jax import lax
from jax.experimental import pallas as pl
from jax.experimental.pallas import tpu as pltpu
from jax.experimental.pallas import tpu_sc as plsc

E = 8
K = 2
TM = 512
NW = 32

CH_G = 64
CH_C = 16



def _router_body(x_ref, gw_ref, gb_ref,
                 logits_ref, wts_ref, etop_ref, rank_ref, counts_ref,
                 run_ref):
    m = pl.program_id(0)

    @pl.when(m == 0)
    def _init():
        run_ref[...] = jnp.zeros_like(run_ref)

    xs = x_ref[...]
    logits = lax.dot_general(
        xs, gw_ref[...], (((1,), (1,)), ((), ())),
        preferred_element_type=jnp.float32) + gb_ref[...]
    logits_ref[...] = logits
    probs = jax.nn.softmax(logits, axis=-1)
    iota_e = lax.broadcasted_iota(jnp.int32, probs.shape, 1)
    a1 = jnp.argmax(probs, axis=-1, keepdims=True)
    m1 = jnp.max(probs, axis=-1, keepdims=True)
    probs2 = jnp.where(iota_e == a1, -jnp.inf, probs)
    a2 = jnp.argmax(probs2, axis=-1, keepdims=True)
    m2 = jnp.max(probs2, axis=-1, keepdims=True)
    denom = m1 + m2
    wts_ref[...] = jnp.concatenate([m1 / denom, m2 / denom], axis=1)
    etop_ref[...] = jnp.concatenate([a1, a2], axis=1).astype(jnp.int32)

    oh1 = (iota_e == a1).astype(jnp.float32)
    oh2 = (iota_e == a2).astype(jnp.float32)
    ohsum = oh1 + oh2
    tm = xs.shape[0]
    ir = lax.broadcasted_iota(jnp.int32, (tm, tm), 0)
    ic = lax.broadcasted_iota(jnp.int32, (tm, tm), 1)
    tril = (ir > ic).astype(jnp.float32)
    base = lax.dot_general(
        tril, ohsum, (((1,), (0,)), ((), ())),
        preferred_element_type=jnp.float32)
    tot = run_ref[...] + base
    r1 = jnp.sum(oh1 * tot, axis=1, keepdims=True)
    r2 = jnp.sum(oh2 * tot, axis=1, keepdims=True)
    rank_ref[...] = jnp.concatenate([r1, r2], axis=1).astype(jnp.int32)
    run_new = run_ref[...] + jnp.sum(ohsum, axis=0, keepdims=True)
    run_ref[...] = run_new
    counts_ref[...] = run_new.astype(jnp.int32)


def _run_router(hs, gate_W, gb2):
    t, h = hs.shape
    grid = (t // TM,)
    return pl.pallas_call(
        _router_body,
        grid=grid,
        in_specs=[
            pl.BlockSpec((TM, h), lambda m: (m, 0)),
            pl.BlockSpec((E, h), lambda m: (0, 0)),
            pl.BlockSpec((1, E), lambda m: (0, 0)),
        ],
        out_specs=[
            pl.BlockSpec((TM, E), lambda m: (m, 0)),
            pl.BlockSpec((TM, K), lambda m: (m, 0)),
            pl.BlockSpec((TM, K), lambda m: (m, 0)),
            pl.BlockSpec((TM, K), lambda m: (m, 0)),
            pl.BlockSpec((1, E), lambda m: (0, 0)),
        ],
        out_shape=[
            jax.ShapeDtypeStruct((t, E), jnp.float32),
            jax.ShapeDtypeStruct((t, K), jnp.float32),
            jax.ShapeDtypeStruct((t, K), jnp.int32),
            jax.ShapeDtypeStruct((t, K), jnp.int32),
            jax.ShapeDtypeStruct((1, E), jnp.int32),
        ],
        scratch_shapes=[pltpu.VMEM((1, E), jnp.float32)],
        compiler_params=pltpu.CompilerParams(
            dimension_semantics=("arbitrary",),
        ),
    )(hs, gate_W, gb2)



def _sc_gather_body(x_ref, rows_ref, xs_ref, idx_v, buf, sem):
    wid = lax.axis_index("s") * 2 + lax.axis_index("c")
    n_per_w = xs_ref.shape[0] // NW
    base = wid * n_per_w

    def body(i, carry):
        off = pl.multiple_of(base + i * CH_G, CH_G)
        pltpu.sync_copy(rows_ref.at[pl.ds(off, CH_G)], idx_v)
        pltpu.async_copy(x_ref.at[idx_v], buf, sem).wait()
        pltpu.sync_copy(buf, xs_ref.at[pl.ds(off, CH_G)])
        return carry

    lax.fori_loop(0, n_per_w // CH_G, body, 0)


def _run_sc_gather(x_bf32, src_rows, np_rows, h2):
    mesh = plsc.VectorSubcoreMesh(core_axis_name="c", subcore_axis_name="s")
    fn = functools.partial(
        pl.kernel, mesh=mesh,
        out_type=jax.ShapeDtypeStruct((np_rows, h2), jnp.int32),
        scratch_types=[
            pltpu.VMEM((CH_G,), jnp.int32),
            pltpu.VMEM((CH_G, h2), jnp.int32),
            pltpu.SemaphoreType.DMA,
        ],
        compiler_params=pltpu.CompilerParams(use_tc_tiling_on_sc=True),
    )(_sc_gather_body)
    return fn(x_bf32, src_rows)



def _gmm_body(te_ref, xs_ref, w_ref, b_ref, ws_ref, y_ref):
    del te_ref
    y = lax.dot_general(
        xs_ref[...], w_ref[0], (((1,), (1,)), ((), ())),
        preferred_element_type=jnp.float32) + b_ref[0]
    y_ref[...] = y * ws_ref[...]


def _run_gmm(tile_expert, xs, w_bf, b3, w_sorted, ntiles, h):
    np_rows = ntiles * TM
    grid_spec = pltpu.PrefetchScalarGridSpec(
        num_scalar_prefetch=1,
        grid=(ntiles,),
        in_specs=[
            pl.BlockSpec((TM, h), lambda i, te: (i, 0)),
            pl.BlockSpec((1, h, h), lambda i, te: (te[i], 0, 0)),
            pl.BlockSpec((1, 1, h), lambda i, te: (te[i], 0, 0)),
            pl.BlockSpec((TM, 1), lambda i, te: (i, 0)),
        ],
        out_specs=pl.BlockSpec((TM, h), lambda i, te: (i, 0)),
    )
    return pl.pallas_call(
        _gmm_body,
        grid_spec=grid_spec,
        out_shape=jax.ShapeDtypeStruct((np_rows, h), jnp.float32),
        compiler_params=pltpu.CompilerParams(
            dimension_semantics=("arbitrary",),
        ),
    )(tile_expert, xs, w_bf, b3, w_sorted)



def _sc_combine_body(y_ref, p0_ref, p1_ref, o_ref, i0, i1, b0, b1, sem):
    wid = lax.axis_index("s") * 2 + lax.axis_index("c")
    t_per_w = o_ref.shape[0] // NW
    base = wid * t_per_w

    def body(ci, carry):
        off = pl.multiple_of(base + ci * CH_C, CH_C)
        pltpu.sync_copy(p0_ref.at[pl.ds(off, CH_C)], i0)
        pltpu.sync_copy(p1_ref.at[pl.ds(off, CH_C)], i1)
        pltpu.async_copy(y_ref.at[i0], b0, sem).wait()
        pltpu.async_copy(y_ref.at[i1], b1, sem).wait()
        nvec = CH_C * b0.shape[1] // 16

        def vbody(j, c2):
            for u in range(8):
                jj = j * 8 + u
                r = jj // (b0.shape[1] // 16)
                col = (jj % (b0.shape[1] // 16)) * 16
                b0[r, pl.ds(col, 16)] = (
                    b0[r, pl.ds(col, 16)] + b1[r, pl.ds(col, 16)])
            return c2

        lax.fori_loop(0, nvec // 8, vbody, 0)
        pltpu.sync_copy(b0, o_ref.at[pl.ds(off, CH_C)])
        return carry

    lax.fori_loop(0, t_per_w // CH_C, body, 0)


def _run_sc_combine(y, p0, p1, t, h):
    mesh = plsc.VectorSubcoreMesh(core_axis_name="c", subcore_axis_name="s")
    fn = functools.partial(
        pl.kernel, mesh=mesh,
        out_type=jax.ShapeDtypeStruct((t, h), jnp.float32),
        scratch_types=[
            pltpu.VMEM((CH_C,), jnp.int32),
            pltpu.VMEM((CH_C,), jnp.int32),
            pltpu.VMEM((CH_C, h), jnp.float32),
            pltpu.VMEM((CH_C, h), jnp.float32),
            pltpu.SemaphoreType.DMA,
        ],
        compiler_params=pltpu.CompilerParams(use_tc_tiling_on_sc=True),
    )(_sc_combine_body)
    return fn(y, p0, p1)



@jax.jit
def kernel(x, gate_W, gate_b, W, b):
    bx, sx, h = x.shape
    t = bx * sx
    ntiles = t * K // TM + E
    np_rows = ntiles * TM

    hs = x.reshape(t, h)
    gb2 = gate_b.reshape(1, E)
    w_bf = W.astype(jnp.bfloat16)
    b3 = b.reshape(E, 1, h)
    x_bf = hs.astype(jnp.bfloat16)

    logits, wts2, etop, rank2, counts2 = _run_router(hs, gate_W, gb2)
    counts = counts2[0]

    tiles_e = (counts + TM - 1) // TM
    ptiles = jnp.cumsum(tiles_e)
    poff = (ptiles - tiles_e) * TM
    tid = jnp.arange(ntiles, dtype=jnp.int32)
    tile_expert = jnp.minimum(
        jnp.sum((tid[:, None] >= ptiles[None, :]).astype(jnp.int32), axis=1),
        E - 1).astype(jnp.int32)
    pos = poff[etop] + rank2
    flat_pos = pos.reshape(-1)
    tok2 = jnp.repeat(jnp.arange(t, dtype=jnp.int32), K)
    src_rows = jnp.zeros((np_rows,), jnp.int32).at[flat_pos].set(
        tok2, unique_indices=True)
    w_sorted = jnp.zeros((np_rows,), jnp.float32).at[flat_pos].set(
        wts2.reshape(-1), unique_indices=True)

    x_bf32 = lax.bitcast_convert_type(
        x_bf.reshape(t, h // 2, 2), jnp.int32)
    xs32 = _run_sc_gather(x_bf32, src_rows, np_rows, h // 2)
    xs = lax.bitcast_convert_type(xs32, jnp.bfloat16).reshape(np_rows, h)
    y = _run_gmm(tile_expert, xs, w_bf, b3, w_sorted[:, None], ntiles, h)
    out = _run_sc_combine(y, pos[:, 0], pos[:, 1], t, h)
    return out.reshape(bx, sx, h), logits

# --- scband reference (transcript-rebuilt; emitter-appended) ---
"""Pipeline reference for scband-sparse-moe-47244640256432 (READ-ONLY COPY).

The authoritative reference and input builder live on the scoring server;
editing this copy changes nothing except your own understanding.
"""

import jax, jax.numpy as jnp
import numpy as np

B, S, H = 4, 2048, 2048
E, K = 8, 2


def setup_inputs(seed: int = 0) -> dict:
    key = jax.random.key(seed)
    ks = jax.random.split(key, 5)
    x = jax.random.normal(ks[0], (B, S, H), dtype=jnp.float32) * 0.02
    gate_W = jax.random.normal(ks[1], (E, H), dtype=jnp.float32) * 0.02
    gate_b = jnp.zeros((E,), dtype=jnp.float32)
    W = jax.random.normal(ks[2], (E, H, H), dtype=jnp.float32) * 0.02
    b = jnp.zeros((E, H), dtype=jnp.float32)
    return {"x": x, "gate_W": gate_W, "gate_b": gate_b, "W": W, "b": b}


def reference(x, gate_W, gate_b, W, b):
    Bx, Sx, Hx = x.shape
    hs = x.reshape(-1, Hx)  # [T, H]
    # Router: gate linear -> float32 softmax -> top-k -> renormalize
    router_logits = hs @ gate_W.T + gate_b  # [T, E]
    routing_probs = jax.nn.softmax(router_logits.astype(jnp.float32), axis=-1)
    router_weights, selected_experts = jax.lax.top_k(routing_probs, K)  # [T, K]
    router_weights = router_weights / jnp.sum(router_weights, axis=-1, keepdims=True)
    router_weights = router_weights.astype(hs.dtype)
    # Expert mixing: equivalent to torch.where + index_add_ dispatch; here
    # expressed as a per-expert masked weighted sum (same math).
    final_hidden_states = jnp.zeros_like(hs)
    for e in range(E):
        # per-token weight for expert e (0 if not selected)
        w_e = jnp.sum(router_weights * (selected_experts == e).astype(hs.dtype), axis=-1)  # [T]
        expert_out = hs @ W[e].T + b[e]  # [T, H]
        final_hidden_states = final_hidden_states + expert_out * w_e[:, None]
    final_hidden_states = final_hidden_states.reshape(Bx, Sx, Hx)
    return final_hidden_states, router_logits

if __name__ == "__main__":
    import jax
    _d = setup_inputs()
    print(jax.jit(kernel)(*tuple(_d.values())))

</pallas_src>

<mosaic_0001>
#map = affine_map<(d0, d1) -> (0, 0)>
#map1 = affine_map<(d0, d1) -> (0)>
module attributes {stable_mosaic.version = 14 : i64} {
  func.func @_sc_gather_body(%arg0: i32, %arg1: i32, %arg2: memref<8192x1024xi32, #tpu.memory_space<hbm>>, %arg3: memref<20480xi32, #tpu.memory_space<hbm>>, %arg4: memref<20480x1024xi32, #tpu.memory_space<hbm>>, %arg5: memref<64xi32, #tpu.memory_space<vmem>>, %arg6: memref<64x1024xi32, #tpu.memory_space<vmem>>, %arg7: memref<!tpu.dma_semaphore, #tpu.memory_space<semaphore_mem>>) attributes {dimension_semantics = [#tpu.dimension_semantics<core_parallel>, #tpu.dimension_semantics<subcore_parallel>], iteration_bounds = array<i64: 2, 16>, scalar_prefetch = 0 : i64, scratch_operands = 3 : i64, tpu.core_type = #tpu.core_type<sc_vector_subcore>, window_params = [{transform_indices = #map}, {transform_indices = #map1}, {transform_indices = #map}]} {
    %mul3A = arith.constant 2 : i32
    %mul3A_0 = arith.muli %arg1, %mul3A : i32
    %add3A = arith.addi %mul3A_0, %arg0 : i32
    %mul3A_1 = arith.constant 640 : i32
    %mul3A_2 = arith.muli %add3A, %mul3A_1 : i32
    %scan3A = arith.constant 0 : i32
    %scan3A_3 = arith.constant 0 : i32
    %scan3A_4 = arith.constant 10 : i32
    %scan3A_5 = arith.addi %scan3A_3, %scan3A_4 : i32
    %scan3A_6 = arith.constant 1 : i32
    scf.for %scan3A_8 = %scan3A_3 to %scan3A_5 step %scan3A_6  : i32 {
      %mul3A_9 = arith.constant 64 : i32
      %mul3A_10 = arith.muli %scan3A_8, %mul3A_9 : i32
      %add3A_11 = arith.addi %mul3A_2, %mul3A_10 : i32
      %multiple_of3A = tpu.assume_multiple %add3A_11, 64 : i32
      "tpu.region"() ({
        %run_scoped3A = tpu.sem_alloc : memref<!tpu.dma_semaphore, #tpu.memory_space<semaphore_mem>>
        %dma_start3A_16 = tpu.memref_slice %arg3[%multiple_of3A] : memref<20480xi32, #tpu.memory_space<hbm>> -> memref<64xi32, #tpu.memory_space<hbm>>
        %dma_start3A_17 = tpu.memref_slice %arg3[%multiple_of3A] : memref<20480xi32, #tpu.memory_space<hbm>> -> memref<64xi32, #tpu.memory_space<hbm>>
        tpu.enqueue_dma source(%dma_start3A_17 : memref<64xi32, #tpu.memory_space<hbm>>) target(%arg5 : memref<64xi32, #tpu.memory_space<vmem>>) target_semaphore(%run_scoped3A : memref<!tpu.dma_semaphore, #tpu.memory_space<semaphore_mem>>)
        %dma_wait3A_18 = tpu.memref_slice %arg3[%multiple_of3A] : memref<20480xi32, #tpu.memory_space<hbm>> -> memref<64xi32, #tpu.memory_space<hbm>>
        %dma_wait3A_19 = tpu.memref_slice %arg3[%multiple_of3A] : memref<20480xi32, #tpu.memory_space<hbm>> -> memref<64xi32, #tpu.memory_space<hbm>>
        tpu.wait_dma2 semaphore(%run_scoped3A : memref<!tpu.dma_semaphore, #tpu.memory_space<semaphore_mem>>) src(%dma_wait3A_19 : memref<64xi32, #tpu.memory_space<hbm>>) dst(%arg5 : memref<64xi32, #tpu.memory_space<vmem>>)
        tpu.yield
      }) : () -> ()
      %dma_start3A = arith.constant 0 : i32
      %dma_start3A_12 = arith.constant 0 : i32
      %dma_start3A_13 = tpu.memref_slice %arg2[%dma_start3A, %dma_start3A_12] : memref<8192x1024xi32, #tpu.memory_space<hbm>> -> memref<8192x1024xi32, #tpu.memory_space<hbm>>
      tpu.enqueue_indirect_dma source(%dma_start3A_13 : memref<8192x1024xi32, #tpu.memory_space<hbm>>) target(%arg6 : memref<64x1024xi32, #tpu.memory_space<vmem>>) offsets(%arg5 : memref<64xi32, #tpu.memory_space<vmem>>) semaphore(%arg7 : memref<!tpu.dma_semaphore, #tpu.memory_space<semaphore_mem>>)
      %dma_wait3A = arith.constant 0 : i32
      %dma_wait3A_14 = arith.constant 0 : i32
      %dma_wait3A_15 = tpu.memref_slice %arg2[%dma_wait3A, %dma_wait3A_14] : memref<8192x1024xi32, #tpu.memory_space<hbm>> -> memref<8192x1024xi32, #tpu.memory_space<hbm>>
      tpu.wait_indirect_dma semaphore(%arg7 : memref<!tpu.dma_semaphore, #tpu.memory_space<semaphore_mem>>) src(%dma_wait3A_15 : memref<8192x1024xi32, #tpu.memory_space<hbm>>) dst(%arg6 : memref<64x1024xi32, #tpu.memory_space<vmem>>)
      "tpu.region"() ({
        %run_scoped3A = tpu.sem_alloc : memref<!tpu.dma_semaphore, #tpu.memory_space<semaphore_mem>>
        %dma_start3A_16 = arith.constant 0 : i32
        %dma_start3A_17 = tpu.memref_slice %arg4[%multiple_of3A, %dma_start3A_16] : memref<20480x1024xi32, #tpu.memory_space<hbm>> -> memref<64x1024xi32, #tpu.memory_space<hbm>>
        %dma_start3A_18 = arith.constant 0 : i32
        %dma_start3A_19 = tpu.memref_slice %arg4[%multiple_of3A, %dma_start3A_18] : memref<20480x1024xi32, #tpu.memory_space<hbm>> -> memref<64x1024xi32, #tpu.memory_space<hbm>>
        tpu.enqueue_dma source(%arg6 : memref<64x1024xi32, #tpu.memory_space<vmem>>) target(%dma_start3A_19 : memref<64x1024xi32, #tpu.memory_space<hbm>>) target_semaphore(%run_scoped3A : memref<!tpu.dma_semaphore, #tpu.memory_space<semaphore_mem>>)
        %dma_wait3A_20 = arith.constant 0 : i32
        %dma_wait3A_21 = tpu.memref_slice %arg4[%multiple_of3A, %dma_wait3A_20] : memref<20480x1024xi32, #tpu.memory_space<hbm>> -> memref<64x1024xi32, #tpu.memory_space<hbm>>
        %dma_wait3A_22 = arith.constant 0 : i32
        %dma_wait3A_23 = tpu.memref_slice %arg4[%multiple_of3A, %dma_wait3A_22] : memref<20480x1024xi32, #tpu.memory_space<hbm>> -> memref<64x1024xi32, #tpu.memory_space<hbm>>
        tpu.wait_dma2 semaphore(%run_scoped3A : memref<!tpu.dma_semaphore, #tpu.memory_space<semaphore_mem>>) src(%arg6 : memref<64x1024xi32, #tpu.memory_space<vmem>>) dst(%dma_wait3A_23 : memref<64x1024xi32, #tpu.memory_space<hbm>>)
        tpu.yield
      }) : () -> ()
    }
    %scan3A_7 = arith.constant 10 : i32
    return
  }
}

#map = affine_map<(d0, d1) -> (0, 0)>
#map1 = affine_map<(d0, d1) -> (0)>
module attributes {stable_mosaic.version = 14 : i64} {
  func.func @_sc_combine_body(%arg0: i32, %arg1: i32, %arg2: memref<20480x2048xf32, #tpu.memory_space<hbm>>, %arg3: memref<8192xi32, #tpu.memory_space<hbm>>, %arg4: memref<8192xi32, #tpu.memory_space<hbm>>, %arg5: memref<8192x2048xf32, #tpu.memory_space<hbm>>, %arg6: memref<16xi32, #tpu.memory_space<vmem>>, %arg7: memref<16xi32, #tpu.memory_space<vmem>>, %arg8: memref<16x2048xf32, #tpu.memory_space<vmem>>, %arg9: memref<16x2048xf32, #tpu.memory_space<vmem>>, %arg10: memref<!tpu.dma_semaphore, #tpu.memory_space<semaphore_mem>>) attributes {dimension_semantics = [#tpu.dimension_semantics<core_parallel>, #tpu.dimension_semantics<subcore_parallel>], iteration_bounds = array<i64: 2, 16>, scalar_prefetch = 0 : i64, scratch_operands = 5 : i64, tpu.core_type = #tpu.core_type<sc_vector_subcore>, window_params = [{transform_indices = #map}, {transform_indices = #map1}, {transform_indices = #map1}, {transform_indices = #map}]} {
    %mul3A = arith.constant 2 : i32
    %mul3A_0 = arith.muli %arg1, %mul3A : i32
    %add3A = arith.addi %mul3A_0, %arg0 : i32
    %mul3A_1 = arith.constant 256 : i32
    %mul3A_2 = arith.muli %add3A, %mul3A_1 : i32
    %scan3A = arith.constant 0 : i32
    %scan3A_3 = arith.constant 0 : i32
    %scan3A_4 = arith.constant 16 : i32
    %scan3A_5 = arith.addi %scan3A_3, %scan3A_4 : i32
    %scan3A_6 = arith.constant 1 : i32
    scf.for %scan3A_8 = %scan3A_3 to %scan3A_5 step %scan3A_6  : i32 {
      %mul3A_9 = arith.constant 16 : i32
      %mul3A_10 = arith.muli %scan3A_8, %mul3A_9 : i32
      %add3A_11 = arith.addi %mul3A_2, %mul3A_10 : i32
      %multiple_of3A = tpu.assume_multiple %add3A_11, 16 : i32
      "tpu.region"() ({
        %run_scoped3A = tpu.sem_alloc : memref<!tpu.dma_semaphore, #tpu.memory_space<semaphore_mem>>
        %dma_start3A_28 = tpu.memref_slice %arg3[%multiple_of3A] : memref<8192xi32, #tpu.memory_space<hbm>> -> memref<16xi32, #tpu.memory_space<hbm>>
        %dma_start3A_29 = tpu.memref_slice %arg3[%multiple_of3A] : memref<8192xi32, #tpu.memory_space<hbm>> -> memref<16xi32, #tpu.memory_space<hbm>>
        tpu.enqueue_dma source(%dma_start3A_29 : memref<16xi32, #tpu.memory_space<hbm>>) target(%arg6 : memref<16xi32, #tpu.memory_space<vmem>>) target_semaphore(%run_scoped3A : memref<!tpu.dma_semaphore, #tpu.memory_space<semaphore_mem>>)
        %dma_wait3A_30 = tpu.memref_slice %arg3[%multiple_of3A] : memref<8192xi32, #tpu.memory_space<hbm>> -> memref<16xi32, #tpu.memory_space<hbm>>
        %dma_wait3A_31 = tpu.memref_slice %arg3[%multiple_of3A] : memref<8192xi32, #tpu.memory_space<hbm>> -> memref<16xi32, #tpu.memory_space<hbm>>
        tpu.wait_dma2 semaphore(%run_scoped3A : memref<!tpu.dma_semaphore, #tpu.memory_space<semaphore_mem>>) src(%dma_wait3A_31 : memref<16xi32, #tpu.memory_space<hbm>>) dst(%arg6 : memref<16xi32, #tpu.memory_space<vmem>>)
        tpu.yield
      }) : () -> ()
      "tpu.region"() ({
        %run_scoped3A = tpu.sem_alloc : memref<!tpu.dma_semaphore, #tpu.memory_space<semaphore_mem>>
        %dma_start3A_28 = tpu.memref_slice %arg4[%multiple_of3A] : memref<8192xi32, #tpu.memory_space<hbm>> -> memref<16xi32, #tpu.memory_space<hbm>>
        %dma_start3A_29 = tpu.memref_slice %arg4[%multiple_of3A] : memref<8192xi32, #tpu.memory_space<hbm>> -> memref<16xi32, #tpu.memory_space<hbm>>
        tpu.enqueue_dma source(%dma_start3A_29 : memref<16xi32, #tpu.memory_space<hbm>>) target(%arg7 : memref<16xi32, #tpu.memory_space<vmem>>) target_semaphore(%run_scoped3A : memref<!tpu.dma_semaphore, #tpu.memory_space<semaphore_mem>>)
        %dma_wait3A_30 = tpu.memref_slice %arg4[%multiple_of3A] : memref<8192xi32, #tpu.memory_space<hbm>> -> memref<16xi32, #tpu.memory_space<hbm>>
        %dma_wait3A_31 = tpu.memref_slice %arg4[%multiple_of3A] : memref<8192xi32, #tpu.memory_space<hbm>> -> memref<16xi32, #tpu.memory_space<hbm>>
        tpu.wait_dma2 semaphore(%run_scoped3A : memref<!tpu.dma_semaphore, #tpu.memory_space<semaphore_mem>>) src(%dma_wait3A_31 : memref<16xi32, #tpu.memory_space<hbm>>) dst(%arg7 : memref<16xi32, #tpu.memory_space<vmem>>)
        tpu.yield
      }) : () -> ()
      %dma_start3A = arith.constant 0 : i32
      %dma_start3A_12 = arith.constant 0 : i32
      %dma_start3A_13 = tpu.memref_slice %arg2[%dma_start3A, %dma_start3A_12] : memref<20480x2048xf32, #tpu.memory_space<hbm>> -> memref<20480x2048xf32, #tpu.memory_space<hbm>>
      tpu.enqueue_indirect_dma source(%dma_start3A_13 : memref<20480x2048xf32, #tpu.memory_space<hbm>>) target(%arg8 : memref<16x2048xf32, #tpu.memory_space<vmem>>) offsets(%arg6 : memref<16xi32, #tpu.memory_space<vmem>>) semaphore(%arg10 : memref<!tpu.dma_semaphore, #tpu.memory_space<semaphore_mem>>)
      %dma_wait3A = arith.constant 0 : i32
      %dma_wait3A_14 = arith.constant 0 : i32
      %dma_wait3A_15 = tpu.memref_slice %arg2[%dma_wait3A, %dma_wait3A_14] : memref<20480x2048xf32, #tpu.memory_space<hbm>> -> memref<20480x2048xf32, #tpu.memory_space<hbm>>
      tpu.wait_indirect_dma semaphore(%arg10 : memref<!tpu.dma_semaphore, #tpu.memory_space<semaphore_mem>>) src(%dma_wait3A_15 : memref<20480x2048xf32, #tpu.memory_space<hbm>>) dst(%arg8 : memref<16x2048xf32, #tpu.memory_space<vmem>>)
      %dma_start3A_16 = arith.constant 0 : i32
      %dma_start3A_17 = arith.constant 0 : i32
      %dma_start3A_18 = tpu.memref_slice %arg2[%dma_start3A_16, %dma_start3A_17] : memref<20480x2048xf32, #tpu.memory_space<hbm>> -> memref<20480x2048xf32, #tpu.memory_space<hbm>>
      tpu.enqueue_indirect_dma source(%dma_start3A_18 : memref<20480x2048xf32, #tpu.memory_space<hbm>>) target(%arg9 : memref<16x2048xf32, #tpu.memory_space<vmem>>) offsets(%arg7 : memref<16xi32, #tpu.memory_space<vmem>>) semaphore(%arg10 : memref<!tpu.dma_semaphore, #tpu.memory_space<semaphore_mem>>)
      %dma_wait3A_19 = arith.constant 0 : i32
      %dma_wait3A_20 = arith.constant 0 : i32
      %dma_wait3A_21 = tpu.memref_slice %arg2[%dma_wait3A_19, %dma_wait3A_20] : memref<20480x2048xf32, #tpu.memory_space<hbm>> -> memref<20480x2048xf32, #tpu.memory_space<hbm>>
      tpu.wait_indirect_dma semaphore(%arg10 : memref<!tpu.dma_semaphore, #tpu.memory_space<semaphore_mem>>) src(%dma_wait3A_21 : memref<20480x2048xf32, #tpu.memory_space<hbm>>) dst(%arg9 : memref<16x2048xf32, #tpu.memory_space<vmem>>)
      %scan3A_22 = arith.constant 0 : i32
      %scan3A_23 = arith.constant 0 : i32
      %scan3A_24 = arith.constant 256 : i32
      %scan3A_25 = arith.addi %scan3A_23, %scan3A_24 : i32
      %scan3A_26 = arith.constant 1 : i32
      scf.for %scan3A_28 = %scan3A_23 to %scan3A_25 step %scan3A_26  : i32 {
        %mul3A_29 = arith.constant 8 : i32
        %mul3A_30 = arith.muli %scan3A_28, %mul3A_29 : i32
        %add3A_31 = arith.constant 0 : i32
        %add3A_32 = arith.addi %mul3A_30, %add3A_31 : i32
        %jit3A = arith.constant 128 : i32
        %div3A = arith.divsi %add3A_32, %jit3A : i32
        %sign3A = arith.constant 0 : i32
        %sign3A_33 = arith.cmpi sgt, %add3A_32, %sign3A : i32
        %sign3A_34 = arith.extui %sign3A_33 : i1 to i32
        %sign3A_35 = arith.constant 0 : i32
        %sign3A_36 = arith.cmpi slt, %add3A_32, %sign3A_35 : i32
        %sign3A_37 = arith.extui %sign3A_36 : i1 to i32
        %sign3A_38 = arith.subi %sign3A_34, %sign3A_37 : i32
        %sign3A_39 = arith.constant 0 : i32
        %sign3A_40 = arith.cmpi sgt, %jit3A, %sign3A_39 : i32
        %sign3A_41 = arith.extui %sign3A_40 : i1 to i32
        %sign3A_42 = arith.constant 0 : i32
        %sign3A_43 = arith.cmpi slt, %jit3A, %sign3A_42 : i32
        %sign3A_44 = arith.extui %sign3A_43 : i1 to i32
        %sign3A_45 = arith.subi %sign3A_41, %sign3A_44 : i32
        %ne3A = arith.cmpi ne, %sign3A_38, %sign3A_45 : i32
        %rem3A = arith.remsi %add3A_32, %jit3A : i32
        %ne3A_46 = arith.constant 0 : i32
        %ne3A_47 = arith.cmpi ne, %rem3A, %ne3A_46 : i32
        %and3A = arith.andi %ne3A, %ne3A_47 : i1
        %sub3A = arith.constant 1 : i32
        %sub3A_48 = arith.subi %div3A, %sub3A : i32
        %select_n3A = arith.select %and3A, %sub3A_48, %div3A : i32
        %jit3A_49 = arith.constant 128 : i32
        %eq3A = arith.constant 0 : i32
        %eq3A_50 = arith.cmpi eq, %jit3A_49, %eq3A : i32
        %jit3A_51 = arith.constant 1 : i32
        %select_n3A_52 = arith.select %eq3A_50, %jit3A_51, %jit3A_49 : i32
        %rem3A_53 = arith.remsi %add3A_32, %select_n3A_52 : i32
        %ne3A_54 = arith.constant 0 : i32
        %ne3A_55 = arith.cmpi ne, %rem3A_53, %ne3A_54 : i32
        %lt3A = arith.constant 0 : i32
        %lt3A_56 = arith.cmpi slt, %rem3A_53, %lt3A : i32
        %lt3A_57 = arith.constant 0 : i32
        %lt3A_58 = arith.cmpi slt, %select_n3A_52, %lt3A_57 : i32
        %ne3A_59 = arith.xori %lt3A_56, %lt3A_58 : i1
        %and3A_60 = arith.andi %ne3A_59, %ne3A_55 : i1
        %add3A_61 = arith.addi %rem3A_53, %select_n3A_52 : i32
        %select_n3A_62 = arith.select %and3A_60, %add3A_61, %rem3A_53 : i32
        %mul3A_63 = arith.constant 16 : i32
        %mul3A_64 = arith.muli %select_n3A_62, %mul3A_63 : i32
        %get3A = arith.index_cast %select_n3A : i32 to index
        %get3A_65 = arith.index_cast %mul3A_64 : i32 to index
        %get3A_66 = tpu.vector_load %arg8[%get3A, %get3A_65] {strides = array<i32>} : memref<16x2048xf32, #tpu.memory_space<vmem>>, vector<1x16xf32>,
        %get3A_67 = vector.shape_cast %get3A_66 : vector<1x16xf32> to vector<16xf32>
        %get3A_68 = arith.index_cast %select_n3A : i32 to index
        %get3A_69 = arith.index_cast %mul3A_64 : i32 to index
        %get3A_70 = tpu.vector_load %arg9[%get3A_68, %get3A_69] {strides = array<i32>} : memref<16x2048xf32, #tpu.memory_space<vmem>>, vector<1x16xf32>,
        %get3A_71 = vector.shape_cast %get3A_70 : vector<1x16xf32> to vector<16xf32>
        %add3A_72 = arith.addf %get3A_67, %get3A_71 : vector<16xf32>
        %swap3A = arith.index_cast %select_n3A : i32 to index
        %swap3A_73 = arith.index_cast %mul3A_64 : i32 to index
        %swap3A_74 = tpu.vector_load %arg8[%swap3A, %swap3A_73] {strides = array<i32>} : memref<16x2048xf32, #tpu.memory_space<vmem>>, vector<1x16xf32>,
        %swap3A_75 = vector.shape_cast %swap3A_74 : vector<1x16xf32> to vector<16xf32>
        %swap3A_76 = vector.shape_cast %add3A_72 : vector<16xf32> to vector<1x16xf32>
        tpu.vector_store %arg8[%swap3A, %swap3A_73], %swap3A_76 {strides = array<i32>} : memref<16x2048xf32, #tpu.memory_space<vmem>>, vector<1x16xf32>,
        %mul3A_77 = arith.constant 8 : i32
        %mul3A_78 = arith.muli %scan3A_28, %mul3A_77 : i32
        %add3A_79 = arith.constant 1 : i32
        %add3A_80 = arith.addi %mul3A_78, %add3A_79 : i32
        %jit3A_81 = arith.constant 128 : i32
        %div3A_82 = arith.divsi %add3A_80, %jit3A_81 : i32
        %sign3A_83 = arith.constant 0 : i32
        %sign3A_84 = arith.cmpi sgt, %add3A_80, %sign3A_83 : i32
        %sign3A_85 = arith.extui %sign3A_84 : i1 to i32
        %sign3A_86 = arith.constant 0 : i32
        %sign3A_87 = arith.cmpi slt, %add3A_80, %sign3A_86 : i32
        %sign3A_88 = arith.extui %sign3A_87 : i1 to i32
        %sign3A_89 = arith.subi %sign3A_85, %sign3A_88 : i32
        %sign3A_90 = arith.constant 0 : i32
        %sign3A_91 = arith.cmpi sgt, %jit3A_81, %sign3A_90 : i32
        %sign3A_92 = arith.extui %sign3A_91 : i1 to i32
        %sign3A_93 = arith.constant 0 : i32
        %sign3A_94 = arith.cmpi slt, %jit3A_81, %sign3A_93 : i32
        %sign3A_95 = arith.extui %sign3A_94 : i1 to i32
        %sign3A_96 = arith.subi %sign3A_92, %sign3A_95 : i32
        %ne3A_97 = arith.cmpi ne, %sign3A_89, %sign3A_96 : i32
        %rem3A_98 = arith.remsi %add3A_80, %jit3A_81 : i32
        %ne3A_99 = arith.constant 0 : i32
        %ne3A_100 = arith.cmpi ne, %rem3A_98, %ne3A_99 : i32
        %and3A_101 = arith.andi %ne3A_97, %ne3A_100 : i1
        %sub3A_102 = arith.constant 1 : i32
        %sub3A_103 = arith.subi %div3A_82, %sub3A_102 : i32
        %select_n3A_104 = arith.select %and3A_101, %sub3A_103, %div3A_82 : i32
        %jit3A_105 = arith.constant 128 : i32
        %eq3A_106 = arith.constant 0 : i32
        %eq3A_107 = arith.cmpi eq, %jit3A_105, %eq3A_106 : i32
        %jit3A_108 = arith.constant 1 : i32
        %select_n3A_109 = arith.select %eq3A_107, %jit3A_108, %jit3A_105 : i32
        %rem3A_110 = arith.remsi %add3A_80, %select_n3A_109 : i32
        %ne3A_111 = arith.constant 0 : i32
        %ne3A_112 = arith.cmpi ne, %rem3A_110, %ne3A_111 : i32
        %lt3A_113 = arith.constant 0 : i32
        %lt3A_114 = arith.cmpi slt, %rem3A_110, %lt3A_113 : i32
        %lt3A_115 = arith.constant 0 : i32
        %lt3A_116 = arith.cmpi slt, %select_n3A_109, %lt3A_115 : i32
        %ne3A_117 = arith.xori %lt3A_114, %lt3A_116 : i1
        %and3A_118 = arith.andi %ne3A_117, %ne3A_112 : i1
        %add3A_119 = arith.addi %rem3A_110, %select_n3A_109 : i32
        %select_n3A_120 = arith.select %and3A_118, %add3A_119, %rem3A_110 : i32
        %mul3A_121 = arith.constant 16 : i32
        %mul3A_122 = arith.muli %select_n3A_120, %mul3A_121 : i32
        %get3A_123 = arith.index_cast %select_n3A_104 : i32 to index
        %get3A_124 = arith.index_cast %mul3A_122 : i32 to index
        %get3A_125 = tpu.vector_load %arg8[%get3A_123, %get3A_124] {strides = array<i32>} : memref<16x2048xf32, #tpu.memory_space<vmem>>, vector<1x16xf32>,
        %get3A_126 = vector.shape_cast %get3A_125 : vector<1x16xf32> to vector<16xf32>
        %get3A_127 = arith.index_cast %select_n3A_104 : i32 to index
        %get3A_128 = arith.index_cast %mul3A_122 : i32 to index
        %get3A_129 = tpu.vector_load %arg9[%get3A_127, %get3A_128] {strides = array<i32>} : memref<16x2048xf32, #tpu.memory_space<vmem>>, vector<1x16xf32>,
        %get3A_130 = vector.shape_cast %get3A_129 : vector<1x16xf32> to vector<16xf32>
        %add3A_131 = arith.addf %get3A_126, %get3A_130 : vector<16xf32>
        %swap3A_132 = arith.index_cast %select_n3A_104 : i32 to index
        %swap3A_133 = arith.index_cast %mul3A_122 : i32 to index
        %swap3A_134 = tpu.vector_load %arg8[%swap3A_132, %swap3A_133] {strides = array<i32>} : memref<16x2048xf32, #tpu.memory_space<vmem>>, vector<1x16xf32>,
        %swap3A_135 = vector.shape_cast %swap3A_134 : vector<1x16xf32> to vector<16xf32>
        %swap3A_136 = vector.shape_cast %add3A_131 : vector<16xf32> to vector<1x16xf32>
        tpu.vector_store %arg8[%swap3A_132, %swap3A_133], %swap3A_136 {strides = array<i32>} : memref<16x2048xf32, #tpu.memory_space<vmem>>, vector<1x16xf32>,
        %mul3A_137 = arith.constant 8 : i32
        %mul3A_138 = arith.muli %scan3A_28, %mul3A_137 : i32
        %add3A_139 = arith.constant 2 : i32
        %add3A_140 = arith.addi %mul3A_138, %add3A_139 : i32
        %jit3A_141 = arith.constant 128 : i32
        %div3A_142 = arith.divsi %add3A_140, %jit3A_141 : i32
        %sign3A_143 = arith.constant 0 : i32
        %sign3A_144 = arith.cmpi sgt, %add3A_140, %sign3A_143 : i32
        %sign3A_145 = arith.extui %sign3A_144 : i1 to i32
        %sign3A_146 = arith.constant 0 : i32
        %sign3A_147 = arith.cmpi slt, %add3A_140, %sign3A_146 : i32
        %sign3A_148 = arith.extui %sign3A_147 : i1 to i32
        %sign3A_149 = arith.subi %sign3A_145, %sign3A_148 : i32
        %sign3A_150 = arith.constant 0 : i32
        %sign3A_151 = arith.cmpi sgt, %jit3A_141, %sign3A_150 : i32
        %sign3A_152 = arith.extui %sign3A_151 : i1 to i32
        %sign3A_153 = arith.constant 0 : i32
        %sign3A_154 = arith.cmpi slt, %jit3A_141, %sign3A_153 : i32
        %sign3A_155 = arith.extui %sign3A_154 : i1 to i32
        %sign3A_156 = arith.subi %sign3A_152, %sign3A_155 : i32
        %ne3A_157 = arith.cmpi ne, %sign3A_149, %sign3A_156 : i32
        %rem3A_158 = arith.remsi %add3A_140, %jit3A_141 : i32
        %ne3A_159 = arith.constant 0 : i32
        %ne3A_160 = arith.cmpi ne, %rem3A_158, %ne3A_159 : i32
        %and3A_161 = arith.andi %ne3A_157, %ne3A_160 : i1
        %sub3A_162 = arith.constant 1 : i32
        %sub3A_163 = arith.subi %div3A_142, %sub3A_162 : i32
        %select_n3A_164 = arith.select %and3A_161, %sub3A_163, %div3A_142 : i32
        %jit3A_165 = arith.constant 128 : i32
        %eq3A_166 = arith.constant 0 : i32
        %eq3A_167 = arith.cmpi eq, %jit3A_165, %eq3A_166 : i32
        %jit3A_168 = arith.constant 1 : i32
        %select_n3A_169 = arith.select %eq3A_167, %jit3A_168, %jit3A_165 : i32
        %rem3A_170 = arith.remsi %add3A_140, %select_n3A_169 : i32
        %ne3A_171 = arith.constant 0 : i32
        %ne3A_172 = arith.cmpi ne, %rem3A_170, %ne3A_171 : i32
        %lt3A_173 = arith.constant 0 : i32
        %lt3A_174 = arith.cmpi slt, %rem3A_170, %lt3A_173 : i32
        %lt3A_175 = arith.constant 0 : i32
        %lt3A_176 = arith.cmpi slt, %select_n3A_169, %lt3A_175 : i32
        %ne3A_177 = arith.xori %lt3A_174, %lt3A_176 : i1
        %and3A_178 = arith.andi %ne3A_177, %ne3A_172 : i1
        %add3A_179 = arith.addi %rem3A_170, %select_n3A_169 : i32
        %select_n3A_180 = arith.select %and3A_178, %add3A_179, %rem3A_170 : i32
        %mul3A_181 = arith.constant 16 : i32
        %mul3A_182 = arith.muli %select_n3A_180, %mul3A_181 : i32
        %get3A_183 = arith.index_cast %select_n3A_164 : i32 to index
        %get3A_184 = arith.index_cast %mul3A_182 : i32 to index
        %get3A_185 = tpu.vector_load %arg8[%get3A_183, %get3A_184] {strides = array<i32>} : memref<16x2048xf32, #tpu.memory_space<vmem>>, vector<1x16xf32>,
        %get3A_186 = vector.shape_cast %get3A_185 : vector<1x16xf32> to vector<16xf32>
        %get3A_187 = arith.index_cast %select_n3A_164 : i32 to index
        %get3A_188 = arith.index_cast %mul3A_182 : i32 to index
        %get3A_189 = tpu.vector_load %arg9[%get3A_187, %get3A_188] {strides = array<i32>} : memref<16x2048xf32, #tpu.memory_space<vmem>>, vector<1x16xf32>,
        %get3A_190 = vector.shape_cast %get3A_189 : vector<1x16xf32> to vector<16xf32>
        %add3A_191 = arith.addf %get3A_186, %get3A_190 : vector<16xf32>
        %swap3A_192 = arith.index_cast %select_n3A_164 : i32 to index
        %swap3A_193 = arith.index_cast %mul3A_182 : i32 to index
        %swap3A_194 = tpu.vector_load %arg8[%swap3A_192, %swap3A_193] {strides = array<i32>} : memref<16x2048xf32, #tpu.memory_space<vmem>>, vector<1x16xf32>,
        %swap3A_195 = vector.shape_cast %swap3A_194 : vector<1x16xf32> to vector<16xf32>
        %swap3A_196 = vector.shape_cast %add3A_191 : vector<16xf32> to vector<1x16xf32>
        tpu.vector_store %arg8[%swap3A_192, %swap3A_193], %swap3A_196 {strides = array<i32>} : memref<16x2048xf32, #tpu.memory_space<vmem>>, vector<1x16xf32>,
        %mul3A_197 = arith.constant 8 : i32
        %mul3A_198 = arith.muli %scan3A_28, %mul3A_197 : i32
        %add3A_199 = arith.constant 3 : i32
        %add3A_200 = arith.addi %mul3A_198, %add3A_199 : i32
        %jit3A_201 = arith.constant 128 : i32
        %div3A_202 = arith.divsi %add3A_200, %jit3A_201 : i32
        %sign3A_203 = arith.constant 0 : i32
        %sign3A_204 = arith.cmpi sgt, %add3A_200, %sign3A_203 : i32
        %sign3A_205 = arith.extui %sign3A_204 : i1 to i32
        %sign3A_206 = arith.constant 0 : i32
        %sign3A_207 = arith.cmpi slt, %add3A_200, %sign3A_206 : i32
        %sign3A_208 = arith.extui %sign3A_207 : i1 to i32
        %sign3A_209 = arith.subi %sign3A_205, %sign3A_208 : i32
        %sign3A_210 = arith.constant 0 : i32
        %sign3A_211 = arith.cmpi sgt, %jit3A_201, %sign3A_210 : i32
        %sign3A_212 = arith.extui %sign3A_211 : i1 to i32
        %sign3A_213 = arith.constant 0 : i32
        %sign3A_214 = arith.cmpi slt, %jit3A_201, %sign3A_213 : i32
        %sign3A_215 = arith.extui %sign3A_214 : i1 to i32
        %sign3A_216 = arith.subi %sign3A_212, %sign3A_215 : i32
        %ne3A_217 = arith.cmpi ne, %sign3A_209, %sign3A_216 : i32
        %rem3A_218 = arith.remsi %add3A_200, %jit3A_201 : i32
        %ne3A_219 = arith.constant 0 : i32
        %ne3A_220 = arith.cmpi ne, %rem3A_218, %ne3A_219 : i32
        %and3A_221 = arith.andi %ne3A_217, %ne3A_220 : i1
        %sub3A_222 = arith.constant 1 : i32
        %sub3A_223 = arith.subi %div3A_202, %sub3A_222 : i32
        %select_n3A_224 = arith.select %and3A_221, %sub3A_223, %div3A_202 : i32
        %jit3A_225 = arith.constant 128 : i32
        %eq3A_226 = arith.constant 0 : i32
        %eq3A_227 = arith.cmpi eq, %jit3A_225, %eq3A_226 : i32
        %jit3A_228 = arith.constant 1 : i32
        %select_n3A_229 = arith.select %eq3A_227, %jit3A_228, %jit3A_225 : i32
        %rem3A_230 = arith.remsi %add3A_200, %select_n3A_229 : i32
        %ne3A_231 = arith.constant 0 : i32
        %ne3A_232 = arith.cmpi ne, %rem3A_230, %ne3A_231 : i32
        %lt3A_233 = arith.constant 0 : i32
        %lt3A_234 = arith.cmpi slt, %rem3A_230, %lt3A_233 : i32
        %lt3A_235 = arith.constant 0 : i32
        %lt3A_236 = arith.cmpi slt, %select_n3A_229, %lt3A_235 : i32
        %ne3A_237 = arith.xori %lt3A_234, %lt3A_236 : i1
        %and3A_238 = arith.andi %ne3A_237, %ne3A_232 : i1
        %add3A_239 = arith.addi %rem3A_230, %select_n3A_229 : i32
        %select_n3A_240 = arith.select %and3A_238, %add3A_239, %rem3A_230 : i32
        %mul3A_241 = arith.constant 16 : i32
        %mul3A_242 = arith.muli %select_n3A_240, %mul3A_241 : i32
        %get3A_243 = arith.index_cast %select_n3A_224 : i32 to index
        %get3A_244 = arith.index_cast %mul3A_242 : i32 to index
        %get3A_245 = tpu.vector_load %arg8[%get3A_243, %get3A_244] {strides = array<i32>} : memref<16x2048xf32, #tpu.memory_space<vmem>>, vector<1x16xf32>,
        %get3A_246 = vector.shape_cast %get3A_245 : vector<1x16xf32> to vector<16xf32>
        %get3A_247 = arith.index_cast %select_n3A_224 : i32 to index
        %get3A_248 = arith.index_cast %mul3A_242 : i32 to index
        %get3A_249 = tpu.vector_load %arg9[%get3A_247, %get3A_248] {strides = array<i32>} : memref<16x2048xf32, #tpu.memory_space<vmem>>, vector<1x16xf32>,
        %get3A_250 = vector.shape_cast %get3A_249 : vector<1x16xf32> to vector<16xf32>
        %add3A_251 = arith.addf %get3A_246, %get3A_250 : vector<16xf32>
        %swap3A_252 = arith.index_cast %select_n3A_224 : i32 to index
        %swap3A_253 = arith.index_cast %mul3A_242 : i32 to index
        %swap3A_254 = tpu.vector_load %arg8[%swap3A_252, %swap3A_253] {strides = array<i32>} : memref<16x2048xf32, #tpu.memory_space<vmem>>, vector<1x16xf32>,
        %swap3A_255 = vector.shape_cast %swap3A_254 : vector<1x16xf32> to vector<16xf32>
        %swap3A_256 = vector.shape_cast %add3A_251 : vector<16xf32> to vector<1x16xf32>
        tpu.vector_store %arg8[%swap3A_252, %swap3A_253], %swap3A_256 {strides = array<i32>} : memref<16x2048xf32, #tpu.memory_space<vmem>>, vector<1x16xf32>,
        %mul3A_257 = arith.constant 8 : i32
        %mul3A_258 = arith.muli %scan3A_28, %mul3A_257 : i32
        %add3A_259 = arith.constant 4 : i32
        %add3A_260 = arith.addi %mul3A_258, %add3A_259 : i32
        %jit3A_261 = arith.constant 128 : i32
        %div3A_262 = arith.divsi %add3A_260, %jit3A_261 : i32
        %sign3A_263 = arith.constant 0 : i32
        %sign3A_264 = arith.cmpi sgt, %add3A_260, %sign3A_263 : i32
        %sign3A_265 = arith.extui %sign3A_264 : i1 to i32
        %sign3A_266 = arith.constant 0 : i32
        %sign3A_267 = arith.cmpi slt, %add3A_260, %sign3A_266 : i32
        %sign3A_268 = arith.extui %sign3A_267 : i1 to i32
        %sign3A_269 = arith.subi %sign3A_265, %sign3A_268 : i32
        %sign3A_270 = arith.constant 0 : i32
        %sign3A_271 = arith.cmpi sgt, %jit3A_261, %sign3A_270 : i32
        %sign3A_272 = arith.extui %sign3A_271 : i1 to i32
        %sign3A_273 = arith.constant 0 : i32
        %sign3A_274 = arith.cmpi slt, %jit3A_261, %sign3A_273 : i32
        %sign3A_275 = arith.extui %sign3A_274 : i1 to i32
        %sign3A_276 = arith.subi %sign3A_272, %sign3A_275 : i32
        %ne3A_277 = arith.cmpi ne, %sign3A_269, %sign3A_276 : i32
        %rem3A_278 = arith.remsi %add3A_260, %jit3A_261 : i32
        %ne3A_279 = arith.constant 0 : i32
        %ne3A_280 = arith.cmpi ne, %rem3A_278, %ne3A_279 : i32
        %and3A_281 = arith.andi %ne3A_277, %ne3A_280 : i1
        %sub3A_282 = arith.constant 1 : i32
        %sub3A_283 = arith.subi %div3A_262, %sub3A_282 : i32
        %select_n3A_284 = arith.select %and3A_281, %sub3A_283, %div3A_262 : i32
        %jit3A_285 = arith.constant 128 : i32
        %eq3A_286 = arith.constant 0 : i32
        %eq3A_287 = arith.cmpi eq, %jit3A_285, %eq3A_286 : i32
        %jit3A_288 = arith.constant 1 : i32
        %select_n3A_289 = arith.select %eq3A_287, %jit3A_288, %jit3A_285 : i32
        %rem3A_290 = arith.remsi %add3A_260, %select_n3A_289 : i32
        %ne3A_291 = arith.constant 0 : i32
        %ne3A_292 = arith.cmpi ne, %rem3A_290, %ne3A_291 : i32
        %lt3A_293 = arith.constant 0 : i32
        %lt3A_294 = arith.cmpi slt, %rem3A_290, %lt3A_293 : i32
        %lt3A_295 = arith.constant 0 : i32
        %lt3A_296 = arith.cmpi slt, %select_n3A_289, %lt3A_295 : i32
        %ne3A_297 = arith.xori %lt3A_294, %lt3A_296 : i1
        %and3A_298 = arith.andi %ne3A_297, %ne3A_292 : i1
        %add3A_299 = arith.addi %rem3A_290, %select_n3A_289 : i32
        %select_n3A_300 = arith.select %and3A_298, %add3A_299, %rem3A_290 : i32
        %mul3A_301 = arith.constant 16 : i32
        %mul3A_302 = arith.muli %select_n3A_300, %mul3A_301 : i32
        %get3A_303 = arith.index_cast %select_n3A_284 : i32 to index
        %get3A_304 = arith.index_cast %mul3A_302 : i32 to index
        %get3A_305 = tpu.vector_load %arg8[%get3A_303, %get3A_304] {strides = array<i32>} : memref<16x2048xf32, #tpu.memory_space<vmem>>, vector<1x16xf32>,
        %get3A_306 = vector.shape_cast %get3A_305 : vector<1x16xf32> to vector<16xf32>
        %get3A_307 = arith.index_cast %select_n3A_284 : i32 to index
        %get3A_308 = arith.index_cast %mul3A_302 : i32 to index
        %get3A_309 = tpu.vector_load %arg9[%get3A_307, %get3A_308] {strides = array<i32>} : memref<16x2048xf32, #tpu.memory_space<vmem>>, vector<1x16xf32>,
        %get3A_310 = vector.shape_cast %get3A_309 : vector<1x16xf32> to vector<16xf32>
        %add3A_311 = arith.addf %get3A_306, %get3A_310 : vector<16xf32>
        %swap3A_312 = arith.index_cast %select_n3A_284 : i32 to index
        %swap3A_313 = arith.index_cast %mul3A_302 : i32 to index
        %swap3A_314 = tpu.vector_load %arg8[%swap3A_312, %swap3A_313] {strides = array<i32>} : memref<16x2048xf32, #tpu.memory_space<vmem>>, vector<1x16xf32>,
        %swap3A_315 = vector.shape_cast %swap3A_314 : vector<1x16xf32> to vector<16xf32>
        %swap3A_316 = vector.shape_cast %add3A_311 : vector<16xf32> to vector<1x16xf32>
        tpu.vector_store %arg8[%swap3A_312, %swap3A_313], %swap3A_316 {strides = array<i32>} : memref<16x2048xf32, #tpu.memory_space<vmem>>, vector<1x16xf32>,
        %mul3A_317 = arith.constant 8 : i32
        %mul3A_318 = arith.muli %scan3A_28, %mul3A_317 : i32
        %add3A_319 = arith.constant 5 : i32
        %add3A_320 = arith.addi %mul3A_318, %add3A_319 : i32
        %jit3A_321 = arith.constant 128 : i32
        %div3A_322 = arith.divsi %add3A_320, %jit3A_321 : i32
        %sign3A_323 = arith.constant 0 : i32
        %sign3A_324 = arith.cmpi sgt, %add3A_320, %sign3A_323 : i32
        %sign3A_325 = arith.extui %sign3A_324 : i1 to i32
        %sign3A_326 = arith.constant 0 : i32
        %sign3A_327 = arith.cmpi slt, %add3A_320, %sign3A_326 : i32
        %sign3A_328 = arith.extui %sign3A_327 : i1 to i32
        %sign3A_329 = arith.subi %sign3A_325, %sign3A_328 : i32
        %sign3A_330 = arith.constant 0 : i32
        %sign3A_331 = arith.cmpi sgt, %jit3A_321, %sign3A_330 : i32
        %sign3A_332 = arith.extui %sign3A_331 : i1 to i32
        %sign3A_333 = arith.constant 0 : i32
        %sign3A_334 = arith.cmpi slt, %jit3A_321, %sign3A_333 : i32
        %sign3A_335 = arith.extui %sign3A_334 : i1 to i32
        %sign3A_336 = arith.subi %sign3A_332, %sign3A_335 : i32
        %ne3A_337 = arith.cmpi ne, %sign3A_329, %sign3A_336 : i32
        %rem3A_338 = arith.remsi %add3A_320, %jit3A_321 : i32
        %ne3A_339 = arith.constant 0 : i32
        %ne3A_340 = arith.cmpi ne, %rem3A_338, %ne3A_339 : i32
        %and3A_341 = arith.andi %ne3A_337, %ne3A_340 : i1
        %sub3A_342 = arith.constant 1 : i32
        %sub3A_343 = arith.subi %div3A_322, %sub3A_342 : i32
        %select_n3A_344 = arith.select %and3A_341, %sub3A_343, %div3A_322 : i32
        %jit3A_345 = arith.constant 128 : i32
        %eq3A_346 = arith.constant 0 : i32
        %eq3A_347 = arith.cmpi eq, %jit3A_345, %eq3A_346 : i32
        %jit3A_348 = arith.constant 1 : i32
        %select_n3A_349 = arith.select %eq3A_347, %jit3A_348, %jit3A_345 : i32
        %rem3A_350 = arith.remsi %add3A_320, %select_n3A_349 : i32
        %ne3A_351 = arith.constant 0 : i32
        %ne3A_352 = arith.cmpi ne, %rem3A_350, %ne3A_351 : i32
        %lt3A_353 = arith.constant 0 : i32
        %lt3A_354 = arith.cmpi slt, %rem3A_350, %lt3A_353 : i32
        %lt3A_355 = arith.constant 0 : i32
        %lt3A_356 = arith.cmpi slt, %select_n3A_349, %lt3A_355 : i32
        %ne3A_357 = arith.xori %lt3A_354, %lt3A_356 : i1
        %and3A_358 = arith.andi %ne3A_357, %ne3A_352 : i1
        %add3A_359 = arith.addi %rem3A_350, %select_n3A_349 : i32
        %select_n3A_360 = arith.select %and3A_358, %add3A_359, %rem3A_350 : i32
        %mul3A_361 = arith.constant 16 : i32
        %mul3A_362 = arith.muli %select_n3A_360, %mul3A_361 : i32
        %get3A_363 = arith.index_cast %select_n3A_344 : i32 to index
        %get3A_364 = arith.index_cast %mul3A_362 : i32 to index
        %get3A_365 = tpu.vector_load %arg8[%get3A_363, %get3A_364] {strides = array<i32>} : memref<16x2048xf32, #tpu.memory_space<vmem>>, vector<1x16xf32>,
        %get3A_366 = vector.shape_cast %get3A_365 : vector<1x16xf32> to vector<16xf32>
        %get3A_367 = arith.index_cast %select_n3A_344 : i32 to index
        %get3A_368 = arith.index_cast %mul3A_362 : i32 to index
        %get3A_369 = tpu.vector_load %arg9[%get3A_367, %get3A_368] {strides = array<i32>} : memref<16x2048xf32, #tpu.memory_space<vmem>>, vector<1x16xf32>,
        %get3A_370 = vector.shape_cast %get3A_369 : vector<1x16xf32> to vector<16xf32>
        %add3A_371 = arith.addf %get3A_366, %get3A_370 : vector<16xf32>
        %swap3A_372 = arith.index_cast %select_n3A_344 : i32 to index
        %swap3A_373 = arith.index_cast %mul3A_362 : i32 to index
        %swap3A_374 = tpu.vector_load %arg8[%swap3A_372, %swap3A_373] {strides = array<i32>} : memref<16x2048xf32, #tpu.memory_space<vmem>>, vector<1x16xf32>,
        %swap3A_375 = vector.shape_cast %swap3A_374 : vector<1x16xf32> to vector<16xf32>
        %swap3A_376 = vector.shape_cast %add3A_371 : vector<16xf32> to vector<1x16xf32>
        tpu.vector_store %arg8[%swap3A_372, %swap3A_373], %swap3A_376 {strides = array<i32>} : memref<16x2048xf32, #tpu.memory_space<vmem>>, vector<1x16xf32>,
        %mul3A_377 = arith.constant 8 : i32
        %mul3A_378 = arith.muli %scan3A_28, %mul3A_377 : i32
        %add3A_379 = arith.constant 6 : i32
        %add3A_380 = arith.addi %mul3A_378, %add3A_379 : i32
        %jit3A_381 = arith.constant 128 : i32
        %div3A_382 = arith.divsi %add3A_380, %jit3A_381 : i32
        %sign3A_383 = arith.constant 0 : i32
        %sign3A_384 = arith.cmpi sgt, %add3A_380, %sign3A_383 : i32
        %sign3A_385 = arith.extui %sign3A_384 : i1 to i32
        %sign3A_386 = arith.constant 0 : i32
        %sign3A_387 = arith.cmpi slt, %add3A_380, %sign3A_386 : i32
        %sign3A_388 = arith.extui %sign3A_387 : i1 to i32
        %sign3A_389 = arith.subi %sign3A_385, %sign3A_388 : i32
        %sign3A_390 = arith.constant 0 : i32
        %sign3A_391 = arith.cmpi sgt, %jit3A_381, %sign3A_390 : i32
        %sign3A_392 = arith.extui %sign3A_391 : i1 to i32
        %sign3A_393 = arith.constant 0 : i32
        %sign3A_394 = arith.cmpi slt, %jit3A_381, %sign3A_393 : i32
        %sign3A_395 = arith.extui %sign3A_394 : i1 to i32
        %sign3A_396 = arith.subi %sign3A_392, %sign3A_395 : i32
        %ne3A_397 = arith.cmpi ne, %sign3A_389, %sign3A_396 : i32
        %rem3A_398 = arith.remsi %add3A_380, %jit3A_381 : i32
        %ne3A_399 = arith.constant 0 : i32
        %ne3A_400 = arith.cmpi ne, %rem3A_398, %ne3A_399 : i32
        %and3A_401 = arith.andi %ne3A_397, %ne3A_400 : i1
        %sub3A_402 = arith.constant 1 : i32
        %sub3A_403 = arith.subi %div3A_382, %sub3A_402 : i32
        %select_n3A_404 = arith.select %and3A_401, %sub3A_403, %div3A_382 : i32
        %jit3A_405 = arith.constant 128 : i32
        %eq3A_406 = arith.constant 0 : i32
        %eq3A_407 = arith.cmpi eq, %jit3A_405, %eq3A_406 : i32
        %jit3A_408 = arith.constant 1 : i32
        %select_n3A_409 = arith.select %eq3A_407, %jit3A_408, %jit3A_405 : i32
        %rem3A_410 = arith.remsi %add3A_380, %select_n3A_409 : i32
        %ne3A_411 = arith.constant 0 : i32
        %ne3A_412 = arith.cmpi ne, %rem3A_410, %ne3A_411 : i32
        %lt3A_413 = arith.constant 0 : i32
        %lt3A_414 = arith.cmpi slt, %rem3A_410, %lt3A_413 : i32
        %lt3A_415 = arith.constant 0 : i32
        %lt3A_416 = arith.cmpi slt, %select_n3A_409, %lt3A_415 : i32
        %ne3A_417 = arith.xori %lt3A_414, %lt3A_416 : i1
        %and3A_418 = arith.andi %ne3A_417, %ne3A_412 : i1
        %add3A_419 = arith.addi %rem3A_410, %select_n3A_409 : i32
        %select_n3A_420 = arith.select %and3A_418, %add3A_419, %rem3A_410 : i32
        %mul3A_421 = arith.constant 16 : i32
        %mul3A_422 = arith.muli %select_n3A_420, %mul3A_421 : i32
        %get3A_423 = arith.index_cast %select_n3A_404 : i32 to index
        %get3A_424 = arith.index_cast %mul3A_422 : i32 to index
        %get3A_425 = tpu.vector_load %arg8[%get3A_423, %get3A_424] {strides = array<i32>} : memref<16x2048xf32, #tpu.memory_space<vmem>>, vector<1x16xf32>,
        %get3A_426 = vector.shape_cast %get3A_425 : vector<1x16xf32> to vector<16xf32>
        %get3A_427 = arith.index_cast %select_n3A_404 : i32 to index
        %get3A_428 = arith.index_cast %mul3A_422 : i32 to index
        %get3A_429 = tpu.vector_load %arg9[%get3A_427, %get3A_428] {strides = array<i32>} : memref<16x2048xf32, #tpu.memory_space<vmem>>, vector<1x16xf32>,
        %get3A_430 = vector.shape_cast %get3A_429 : vector<1x16xf32> to vector<16xf32>
        %add3A_431 = arith.addf %get3A_426, %get3A_430 : vector<16xf32>
        %swap3A_432 = arith.index_cast %select_n3A_404 : i32 to index
        %swap3A_433 = arith.index_cast %mul3A_422 : i32 to index
        %swap3A_434 = tpu.vector_load %arg8[%swap3A_432, %swap3A_433] {strides = array<i32>} : memref<16x2048xf32, #tpu.memory_space<vmem>>, vector<1x16xf32>,
        %swap3A_435 = vector.shape_cast %swap3A_434 : vector<1x16xf32> to vector<16xf32>
        %swap3A_436 = vector.shape_cast %add3A_431 : vector<16xf32> to vector<1x16xf32>
        tpu.vector_store %arg8[%swap3A_432, %swap3A_433], %swap3A_436 {strides = array<i32>} : memref<16x2048xf32, #tpu.memory_space<vmem>>, vector<1x16xf32>,
        %mul3A_437 = arith.constant 8 : i32
        %mul3A_438 = arith.muli %scan3A_28, %mul3A_437 : i32
        %add3A_439 = arith.constant 7 : i32
        %add3A_440 = arith.addi %mul3A_438, %add3A_439 : i32
        %jit3A_441 = arith.constant 128 : i32
        %div3A_442 = arith.divsi %add3A_440, %jit3A_441 : i32
        %sign3A_443 = arith.constant 0 : i32
        %sign3A_444 = arith.cmpi sgt, %add3A_440, %sign3A_443 : i32
        %sign3A_445 = arith.extui %sign3A_444 : i1 to i32
        %sign3A_446 = arith.constant 0 : i32
        %sign3A_447 = arith.cmpi slt, %add3A_440, %sign3A_446 : i32
        %sign3A_448 = arith.extui %sign3A_447 : i1 to i32
        %sign3A_449 = arith.subi %sign3A_445, %sign3A_448 : i32
        %sign3A_450 = arith.constant 0 : i32
        %sign3A_451 = arith.cmpi sgt, %jit3A_441, %sign3A_450 : i32
        %sign3A_452 = arith.extui %sign3A_451 : i1 to i32
        %sign3A_453 = arith.constant 0 : i32
        %sign3A_454 = arith.cmpi slt, %jit3A_441, %sign3A_453 : i32
        %sign3A_455 = arith.extui %sign3A_454 : i1 to i32
        %sign3A_456 = arith.subi %sign3A_452, %sign3A_455 : i32
        %ne3A_457 = arith.cmpi ne, %sign3A_449, %sign3A_456 : i32
        %rem3A_458 = arith.remsi %add3A_440, %jit3A_441 : i32
        %ne3A_459 = arith.constant 0 : i32
        %ne3A_460 = arith.cmpi ne, %rem3A_458, %ne3A_459 : i32
        %and3A_461 = arith.andi %ne3A_457, %ne3A_460 : i1
        %sub3A_462 = arith.constant 1 : i32
        %sub3A_463 = arith.subi %div3A_442, %sub3A_462 : i32
        %select_n3A_464 = arith.select %and3A_461, %sub3A_463, %div3A_442 : i32
        %jit3A_465 = arith.constant 128 : i32
        %eq3A_466 = arith.constant 0 : i32
        %eq3A_467 = arith.cmpi eq, %jit3A_465, %eq3A_466 : i32
        %jit3A_468 = arith.constant 1 : i32
        %select_n3A_469 = arith.select %eq3A_467, %jit3A_468, %jit3A_465 : i32
        %rem3A_470 = arith.remsi %add3A_440, %select_n3A_469 : i32
        %ne3A_471 = arith.constant 0 : i32
        %ne3A_472 = arith.cmpi ne, %rem3A_470, %ne3A_471 : i32
        %lt3A_473 = arith.constant 0 : i32
        %lt3A_474 = arith.cmpi slt, %rem3A_470, %lt3A_473 : i32
        %lt3A_475 = arith.constant 0 : i32
        %lt3A_476 = arith.cmpi slt, %select_n3A_469, %lt3A_475 : i32
        %ne3A_477 = arith.xori %lt3A_474, %lt3A_476 : i1
        %and3A_478 = arith.andi %ne3A_477, %ne3A_472 : i1
        %add3A_479 = arith.addi %rem3A_470, %select_n3A_469 : i32
        %select_n3A_480 = arith.select %and3A_478, %add3A_479, %rem3A_470 : i32
        %mul3A_481 = arith.constant 16 : i32
        %mul3A_482 = arith.muli %select_n3A_480, %mul3A_481 : i32
        %get3A_483 = arith.index_cast %select_n3A_464 : i32 to index
        %get3A_484 = arith.index_cast %mul3A_482 : i32 to index
        %get3A_485 = tpu.vector_load %arg8[%get3A_483, %get3A_484] {strides = array<i32>} : memref<16x2048xf32, #tpu.memory_space<vmem>>, vector<1x16xf32>,
        %get3A_486 = vector.shape_cast %get3A_485 : vector<1x16xf32> to vector<16xf32>
        %get3A_487 = arith.index_cast %select_n3A_464 : i32 to index
        %get3A_488 = arith.index_cast %mul3A_482 : i32 to index
        %get3A_489 = tpu.vector_load %arg9[%get3A_487, %get3A_488] {strides = array<i32>} : memref<16x2048xf32, #tpu.memory_space<vmem>>, vector<1x16xf32>,
        %get3A_490 = vector.shape_cast %get3A_489 : vector<1x16xf32> to vector<16xf32>
        %add3A_491 = arith.addf %get3A_486, %get3A_490 : vector<16xf32>
        %swap3A_492 = arith.index_cast %select_n3A_464 : i32 to index
        %swap3A_493 = arith.index_cast %mul3A_482 : i32 to index
        %swap3A_494 = tpu.vector_load %arg8[%swap3A_492, %swap3A_493] {strides = array<i32>} : memref<16x2048xf32, #tpu.memory_space<vmem>>, vector<1x16xf32>,
        %swap3A_495 = vector.shape_cast %swap3A_494 : vector<1x16xf32> to vector<16xf32>
        %swap3A_496 = vector.shape_cast %add3A_491 : vector<16xf32> to vector<1x16xf32>
        tpu.vector_store %arg8[%swap3A_492, %swap3A_493], %swap3A_496 {strides = array<i32>} : memref<16x2048xf32, #tpu.memory_space<vmem>>, vector<1x16xf32>,
      }
      %scan3A_27 = arith.constant 256 : i32
      "tpu.region"() ({
        %run_scoped3A = tpu.sem_alloc : memref<!tpu.dma_semaphore, #tpu.memory_space<semaphore_mem>>
        %dma_start3A_28 = arith.constant 0 : i32
        %dma_start3A_29 = tpu.memref_slice %arg5[%multiple_of3A, %dma_start3A_28] : memref<8192x2048xf32, #tpu.memory_space<hbm>> -> memref<16x2048xf32, #tpu.memory_space<hbm>>
        %dma_start3A_30 = arith.constant 0 : i32
        %dma_start3A_31 = tpu.memref_slice %arg5[%multiple_of3A, %dma_start3A_30] : memref<8192x2048xf32, #tpu.memory_space<hbm>> -> memref<16x2048xf32, #tpu.memory_space<hbm>>
        tpu.enqueue_dma source(%arg8 : memref<16x2048xf32, #tpu.memory_space<vmem>>) target(%dma_start3A_31 : memref<16x2048xf32, #tpu.memory_space<hbm>>) target_semaphore(%run_scoped3A : memref<!tpu.dma_semaphore, #tpu.memory_space<semaphore_mem>>)
        %dma_wait3A_32 = arith.constant 0 : i32
        %dma_wait3A_33 = tpu.memref_slice %arg5[%multiple_of3A, %dma_wait3A_32] : memref<8192x2048xf32, #tpu.memory_space<hbm>> -> memref<16x2048xf32, #tpu.memory_space<hbm>>
        %dma_wait3A_34 = arith.constant 0 : i32
        %dma_wait3A_35 = tpu.memref_slice %arg5[%multiple_of3A, %dma_wait3A_34] : memref<8192x2048xf32, #tpu.memory_space<hbm>> -> memref<16x2048xf32, #tpu.memory_space<hbm>>
        tpu.wait_dma2 semaphore(%run_scoped3A : memref<!tpu.dma_semaphore, #tpu.memory_space<semaphore_mem>>) src(%arg8 : memref<16x2048xf32, #tpu.memory_space<vmem>>) dst(%dma_wait3A_35 : memref<16x2048xf32, #tpu.memory_space<hbm>>)
        tpu.yield
      }) : () -> ()
    }
    %scan3A_7 = arith.constant 16 : i32
    return
  }
}

module attributes {stable_mosaic.version = 14 : i64} {
  func.func @_router_body(%arg0: i32, %arg1: memref<512x2048xf32, #tpu.memory_space<vmem>>, %arg2: memref<8x2048xf32, #tpu.memory_space<vmem>>, %arg3: memref<1x8xf32, #tpu.memory_space<vmem>>, %arg4: memref<512x8xf32, #tpu.memory_space<vmem>>, %arg5: memref<512x2xf32, #tpu.memory_space<vmem>>, %arg6: memref<512x2xi32, #tpu.memory_space<vmem>>, %arg7: memref<512x2xi32, #tpu.memory_space<vmem>>, %arg8: memref<1x8xi32, #tpu.memory_space<vmem>>, %arg9: memref<1x8xf32, #tpu.memory_space<vmem>>) attributes {dimension_semantics = [#tpu.dimension_semantics<arbitrary>], iteration_bounds = array<i64: 16>, scalar_prefetch = 0 : i64, scratch_operands = 1 : i64, tpu.core_type = #tpu.core_type<tc>, window_params = [{transform_indices = @transform_0, window_bounds = array<i64: 512, 2048>}, {pipeline_mode = #tpu.pipeline_mode<synchronous>, transform_indices = @transform_1, window_bounds = array<i64: 8, 2048>}, {pipeline_mode = #tpu.pipeline_mode<synchronous>, transform_indices = @transform_2, window_bounds = array<i64: 1, 8>}, {transform_indices = @transform_3, window_bounds = array<i64: 512, 8>}, {transform_indices = @transform_4, window_bounds = array<i64: 512, 2>}, {transform_indices = @transform_5, window_bounds = array<i64: 512, 2>}, {transform_indices = @transform_6, window_bounds = array<i64: 512, 2>}, {pipeline_mode = #tpu.pipeline_mode<synchronous>, transform_indices = @transform_7, window_bounds = array<i64: 1, 8>}]} {
    %eq3A = arith.constant 0 : i32
    %eq3A_0 = arith.cmpi eq, %arg0, %eq3A : i32
    %convert_element_type3A = arith.extui %eq3A_0 : i1 to i32
    %cond3A = arith.constant 0 : i32
    %cond3A_1 = arith.cmpi ne, %convert_element_type3A, %cond3A : i32
    scf.if %cond3A_1 {
      %broadcast_in_dim3A_89 = arith.constant 0.000000e+00 : f32
      %broadcast_in_dim3A_90 = vector.broadcast %broadcast_in_dim3A_89 : f32 to vector<1x8xf32>
      %swap3A_91 = arith.constant 0 : index
      %swap3A_92 = arith.constant 0 : index
      %swap3A_93 = vector.load %arg9[%swap3A_91, %swap3A_92] : memref<1x8xf32, #tpu.memory_space<vmem>>, vector<1x8xf32>
      tpu.vector_store %arg9[%swap3A_91, %swap3A_92], %broadcast_in_dim3A_90 {strides = array<i32>} : memref<1x8xf32, #tpu.memory_space<vmem>>, vector<1x8xf32>,
    } else {
    }
    %get3A = arith.constant 0 : index
    %get3A_2 = arith.constant 0 : index
    %get3A_3 = vector.load %arg1[%get3A, %get3A_2] : memref<512x2048xf32, #tpu.memory_space<vmem>>, vector<512x2048xf32>
    %get3A_4 = arith.constant 0 : index
    %get3A_5 = arith.constant 0 : index
    %get3A_6 = vector.load %arg2[%get3A_4, %get3A_5] : memref<8x2048xf32, #tpu.memory_space<vmem>>, vector<8x2048xf32>
    %dot_general3A = arith.constant dense<0.000000e+00> : vector<512x8xf32>
    %dot_general3A_7 = tpu.matmul %get3A_3, %get3A_6, %dot_general3A {dimension_numbers = #tpu.dot_dimension_numbers<[1], [1], [0], [0], [0, 0, 1, 0], [], []>, transpose_lhs_hint = false} : vector<512x2048xf32>, vector<8x2048xf32>, vector<512x8xf32> -> vector<512x8xf32>
    %get3A_8 = arith.constant 0 : index
    %get3A_9 = arith.constant 0 : index
    %get3A_10 = vector.load %arg3[%get3A_8, %get3A_9] : memref<1x8xf32, #tpu.memory_space<vmem>>, vector<1x8xf32>
    %add3A = vector.broadcast %get3A_10 : vector<1x8xf32> to vector<512x8xf32>
    %add3A_11 = arith.addf %dot_general3A_7, %add3A : vector<512x8xf32>
    %swap3A = arith.constant 0 : index
    %swap3A_12 = arith.constant 0 : index
    %swap3A_13 = vector.load %arg4[%swap3A, %swap3A_12] : memref<512x8xf32, #tpu.memory_space<vmem>>, vector<512x8xf32>
    tpu.vector_store %arg4[%swap3A, %swap3A_12], %add3A_11 {strides = array<i32>} : memref<512x8xf32, #tpu.memory_space<vmem>>, vector<512x8xf32>,
    %reduce_max3A = arith.constant dense<0xFF800000> : vector<512xf32>
    %reduce_max3A_14 = vector.multi_reduction <maximumf>, %add3A_11, %reduce_max3A [1] : vector<512x8xf32> to vector<512xf32>
    %max3A = arith.constant 0xFF800000 : f32
    %max3A_15 = vector.broadcast %max3A : f32 to vector<512xf32>
    %max3A_16 = arith.maximumf %max3A_15, %reduce_max3A_14 : vector<512xf32>
    %broadcast_in_dim3A = vector.shape_cast %max3A_16 : vector<512xf32> to vector<512x1xf32>
    %sub3A = vector.broadcast %broadcast_in_dim3A : vector<512x1xf32> to vector<512x8xf32>
    %sub3A_17 = arith.subf %add3A_11, %sub3A : vector<512x8xf32>
    %exp3A = math.exp %sub3A_17 : vector<512x8xf32>
    %reduce_sum3A = arith.constant dense<0.000000e+00> : vector<512xf32>
    %reduce_sum3A_18 = vector.multi_reduction <add>, %exp3A, %reduce_sum3A [1] : vector<512x8xf32> to vector<512xf32>
    %broadcast_in_dim3A_19 = vector.shape_cast %reduce_sum3A_18 : vector<512xf32> to vector<512x1xf32>
    %div3A = vector.broadcast %broadcast_in_dim3A_19 : vector<512x1xf32> to vector<512x8xf32>
    %div3A_20 = arith.divf %exp3A, %div3A : vector<512x8xf32>
    %iota3A = tpu.iota {dimensions = array<i32: 1>} : vector<512x8xi32>
    %argmax3A = tpu.reduce_index %div3A_20 {axis = 1 : i32, kind = #tpu.reduction_kind<arg_max>} : vector<512x8xf32> -> vector<512xi32>
    %broadcast_in_dim3A_21 = vector.shape_cast %argmax3A : vector<512xi32> to vector<512x1xi32>
    %reduce_max3A_22 = arith.constant dense<0xFF800000> : vector<512xf32>
    %reduce_max3A_23 = vector.multi_reduction <maximumf>, %div3A_20, %reduce_max3A_22 [1] : vector<512x8xf32> to vector<512xf32>
    %broadcast_in_dim3A_24 = vector.shape_cast %reduce_max3A_23 : vector<512xf32> to vector<512x1xf32>
    %eq3A_25 = vector.broadcast %broadcast_in_dim3A_21 : vector<512x1xi32> to vector<512x8xi32>
    %eq3A_26 = arith.cmpi eq, %iota3A, %eq3A_25 : vector<512x8xi32>
    %jit3A = arith.constant 0xFF800000 : f32
    %broadcast_in_dim3A_27 = vector.broadcast %jit3A : f32 to vector<512x8xf32>
    %select_n3A = arith.select %eq3A_26, %broadcast_in_dim3A_27, %div3A_20 : vector<512x8xi1>, vector<512x8xf32>
    %argmax3A_28 = tpu.reduce_index %select_n3A {axis = 1 : i32, kind = #tpu.reduction_kind<arg_max>} : vector<512x8xf32> -> vector<512xi32>
    %broadcast_in_dim3A_29 = vector.shape_cast %argmax3A_28 : vector<512xi32> to vector<512x1xi32>
    %reduce_max3A_30 = arith.constant dense<0xFF800000> : vector<512xf32>
    %reduce_max3A_31 = vector.multi_reduction <maximumf>, %select_n3A, %reduce_max3A_30 [1] : vector<512x8xf32> to vector<512xf32>
    %broadcast_in_dim3A_32 = vector.shape_cast %reduce_max3A_31 : vector<512xf32> to vector<512x1xf32>
    %add3A_33 = arith.addf %broadcast_in_dim3A_24, %broadcast_in_dim3A_32 : vector<512x1xf32>
    %div3A_34 = arith.divf %broadcast_in_dim3A_24, %add3A_33 : vector<512x1xf32>
    %div3A_35 = arith.divf %broadcast_in_dim3A_32, %add3A_33 : vector<512x1xf32>
    %concatenate3A = tpu.concatenate %div3A_34, %div3A_35 in 1 : vector<512x1xf32>, vector<512x1xf32> -> vector<512x2xf32>
    %swap3A_36 = arith.constant 0 : index
    %swap3A_37 = arith.constant 0 : index
    %swap3A_38 = vector.load %arg5[%swap3A_36, %swap3A_37] : memref<512x2xf32, #tpu.memory_space<vmem>>, vector<512x2xf32>
    tpu.vector_store %arg5[%swap3A_36, %swap3A_37], %concatenate3A {strides = array<i32>} : memref<512x2xf32, #tpu.memory_space<vmem>>, vector<512x2xf32>,
    %concatenate3A_39 = tpu.concatenate %broadcast_in_dim3A_21, %broadcast_in_dim3A_29 in 1 : vector<512x1xi32>, vector<512x1xi32> -> vector<512x2xi32>
    %swap3A_40 = arith.constant 0 : index
    %swap3A_41 = arith.constant 0 : index
    %swap3A_42 = vector.load %arg6[%swap3A_40, %swap3A_41] : memref<512x2xi32, #tpu.memory_space<vmem>>, vector<512x2xi32>
    tpu.vector_store %arg6[%swap3A_40, %swap3A_41], %concatenate3A_39 {strides = array<i32>} : memref<512x2xi32, #tpu.memory_space<vmem>>, vector<512x2xi32>,
    %eq3A_43 = vector.broadcast %broadcast_in_dim3A_21 : vector<512x1xi32> to vector<512x8xi32>
    %eq3A_44 = arith.cmpi eq, %iota3A, %eq3A_43 : vector<512x8xi32>
    %convert_element_type3A_45 = arith.extui %eq3A_44 : vector<512x8xi1> to vector<512x8xi32>
    %convert_element_type3A_46 = arith.sitofp %convert_element_type3A_45 : vector<512x8xi32> to vector<512x8xf32>
    %eq3A_47 = vector.broadcast %broadcast_in_dim3A_29 : vector<512x1xi32> to vector<512x8xi32>
    %eq3A_48 = arith.cmpi eq, %iota3A, %eq3A_47 : vector<512x8xi32>
    %convert_element_type3A_49 = arith.extui %eq3A_48 : vector<512x8xi1> to vector<512x8xi32>
    %convert_element_type3A_50 = arith.sitofp %convert_element_type3A_49 : vector<512x8xi32> to vector<512x8xf32>
    %add3A_51 = arith.addf %convert_element_type3A_46, %convert_element_type3A_50 : vector<512x8xf32>
    %iota3A_52 = tpu.iota {dimensions = array<i32: 0>} : vector<512x512xi32>
    %iota3A_53 = tpu.iota {dimensions = array<i32: 1>} : vector<512x512xi32>
    %gt3A = arith.cmpi sgt, %iota3A_52, %iota3A_53 : vector<512x512xi32>
    %convert_element_type3A_54 = arith.extui %gt3A : vector<512x512xi1> to vector<512x512xi32>
    %convert_element_type3A_55 = arith.sitofp %convert_element_type3A_54 : vector<512x512xi32> to vector<512x512xf32>
    %dot_general3A_56 = arith.constant dense<0.000000e+00> : vector<512x8xf32>
    %dot_general3A_57 = tpu.matmul %convert_element_type3A_55, %add3A_51, %dot_general3A_56 {dimension_numbers = #tpu.dot_dimension_numbers<[1], [0], [0], [1], [0, 0, 1, 1], [], []>, transpose_lhs_hint = false} : vector<512x512xf32>, vector<512x8xf32>, vector<512x8xf32> -> vector<512x8xf32>
    %get3A_58 = arith.constant 0 : index
    %get3A_59 = arith.constant 0 : index
    %get3A_60 = vector.load %arg9[%get3A_58, %get3A_59] : memref<1x8xf32, #tpu.memory_space<vmem>>, vector<1x8xf32>
    %add3A_61 = vector.broadcast %get3A_60 : vector<1x8xf32> to vector<512x8xf32>
    %add3A_62 = arith.addf %add3A_61, %dot_general3A_57 : vector<512x8xf32>
    %mul3A = arith.mulf %convert_element_type3A_46, %add3A_62 : vector<512x8xf32>
    %reduce_sum3A_63 = arith.constant dense<0.000000e+00> : vector<512xf32>
    %reduce_sum3A_64 = vector.multi_reduction <add>, %mul3A, %reduce_sum3A_63 [1] : vector<512x8xf32> to vector<512xf32>
    %broadcast_in_dim3A_65 = vector.shape_cast %reduce_sum3A_64 : vector<512xf32> to vector<512x1xf32>
    %mul3A_66 = arith.mulf %convert_element_type3A_50, %add3A_62 : vector<512x8xf32>
    %reduce_sum3A_67 = arith.constant dense<0.000000e+00> : vector<512xf32>
    %reduce_sum3A_68 = vector.multi_reduction <add>, %mul3A_66, %reduce_sum3A_67 [1] : vector<512x8xf32> to vector<512xf32>
    %broadcast_in_dim3A_69 = vector.shape_cast %reduce_sum3A_68 : vector<512xf32> to vector<512x1xf32>
    %concatenate3A_70 = tpu.concatenate %broadcast_in_dim3A_65, %broadcast_in_dim3A_69 in 1 : vector<512x1xf32>, vector<512x1xf32> -> vector<512x2xf32>
    %convert_element_type3A_71 = arith.fptosi %concatenate3A_70 : vector<512x2xf32> to vector<512x2xi32>
    %swap3A_72 = arith.constant 0 : index
    %swap3A_73 = arith.constant 0 : index
    %swap3A_74 = vector.load %arg7[%swap3A_72, %swap3A_73] : memref<512x2xi32, #tpu.memory_space<vmem>>, vector<512x2xi32>
    tpu.vector_store %arg7[%swap3A_72, %swap3A_73], %convert_element_type3A_71 {strides = array<i32>} : memref<512x2xi32, #tpu.memory_space<vmem>>, vector<512x2xi32>,
    %get3A_75 = arith.constant 0 : index
    %get3A_76 = arith.constant 0 : index
    %get3A_77 = vector.load %arg9[%get3A_75, %get3A_76] : memref<1x8xf32, #tpu.memory_space<vmem>>, vector<1x8xf32>
    %reduce_sum3A_78 = arith.constant dense<0.000000e+00> : vector<8xf32>
    %reduce_sum3A_79 = vector.multi_reduction <add>, %add3A_51, %reduce_sum3A_78 [0] : vector<512x8xf32> to vector<8xf32>
    %broadcast_in_dim3A_80 = vector.shape_cast %reduce_sum3A_79 : vector<8xf32> to vector<1x8xf32>
    %add3A_81 = arith.addf %get3A_77, %broadcast_in_dim3A_80 : vector<1x8xf32>
    %swap3A_82 = arith.constant 0 : index
    %swap3A_83 = arith.constant 0 : index
    %swap3A_84 = vector.load %arg9[%swap3A_82, %swap3A_83] : memref<1x8xf32, #tpu.memory_space<vmem>>, vector<1x8xf32>
    tpu.vector_store %arg9[%swap3A_82, %swap3A_83], %add3A_81 {strides = array<i32>} : memref<1x8xf32, #tpu.memory_space<vmem>>, vector<1x8xf32>,
    %convert_element_type3A_85 = arith.fptosi %add3A_81 : vector<1x8xf32> to vector<1x8xi32>
    %swap3A_86 = arith.constant 0 : index
    %swap3A_87 = arith.constant 0 : index
    %swap3A_88 = vector.load %arg8[%swap3A_86, %swap3A_87] : memref<1x8xi32, #tpu.memory_space<vmem>>, vector<1x8xi32>
    tpu.vector_store %arg8[%swap3A_86, %swap3A_87], %convert_element_type3A_85 {strides = array<i32>} : memref<1x8xi32, #tpu.memory_space<vmem>>, vector<1x8xi32>,
    return
  }
  func.func @transform_0(%arg0: i32) -> (i32, i32) {
    %c0_i32 = arith.constant 0 : i32
    %c0_i32_0 = arith.constant 0 : i32
    return %arg0, %c0_i32 : i32, i32
  }
  func.func @transform_1(%arg0: i32) -> (i32, i32) {
    %c0_i32 = arith.constant 0 : i32
    %c0_i32_0 = arith.constant 0 : i32
    %c0_i32_1 = arith.constant 0 : i32
    return %c0_i32, %c0_i32_0 : i32, i32
  }
  func.func @transform_2(%arg0: i32) -> (i32, i32) {
    %c0_i32 = arith.constant 0 : i32
    %c0_i32_0 = arith.constant 0 : i32
    %c0_i32_1 = arith.constant 0 : i32
    return %c0_i32, %c0_i32_0 : i32, i32
  }
  func.func @transform_3(%arg0: i32) -> (i32, i32) {
    %c0_i32 = arith.constant 0 : i32
    %c0_i32_0 = arith.constant 0 : i32
    return %arg0, %c0_i32 : i32, i32
  }
  func.func @transform_4(%arg0: i32) -> (i32, i32) {
    %c0_i32 = arith.constant 0 : i32
    %c0_i32_0 = arith.constant 0 : i32
    return %arg0, %c0_i32 : i32, i32
  }
  func.func @transform_5(%arg0: i32) -> (i32, i32) {
    %c0_i32 = arith.constant 0 : i32
    %c0_i32_0 = arith.constant 0 : i32
    return %arg0, %c0_i32 : i32, i32
  }
  func.func @transform_6(%arg0: i32) -> (i32, i32) {
    %c0_i32 = arith.constant 0 : i32
    %c0_i32_0 = arith.constant 0 : i32
    return %arg0, %c0_i32 : i32, i32
  }
  func.func @transform_7(%arg0: i32) -> (i32, i32) {
    %c0_i32 = arith.constant 0 : i32
    %c0_i32_0 = arith.constant 0 : i32
    %c0_i32_1 = arith.constant 0 : i32
    return %c0_i32, %c0_i32_0 : i32, i32
  }
}

module attributes {stable_mosaic.version = 14 : i64} {
  func.func @_gmm_body(%arg0: i32, %arg1: memref<40xi32, #tpu.memory_space<smem>>, %arg2: memref<512x2048xbf16, #tpu.memory_space<vmem>>, %arg3: memref<1x2048x2048xbf16, #tpu.memory_space<vmem>>, %arg4: memref<1x1x2048xf32, #tpu.memory_space<vmem>>, %arg5: memref<512x1xf32, #tpu.memory_space<vmem>>, %arg6: memref<512x2048xf32, #tpu.memory_space<vmem>>) attributes {dimension_semantics = [#tpu.dimension_semantics<arbitrary>], iteration_bounds = array<i64: 40>, scalar_prefetch = 1 : i64, scratch_operands = 0 : i64, tpu.core_type = #tpu.core_type<tc>, window_params = [{transform_indices = @transform_0, window_bounds = array<i64: 512, 2048>}, {transform_indices = @transform_1, window_bounds = array<i64: 1, 2048, 2048>}, {transform_indices = @transform_2, window_bounds = array<i64: 1, 1, 2048>}, {transform_indices = @transform_3, window_bounds = array<i64: 512, 1>}, {transform_indices = @transform_4, window_bounds = array<i64: 512, 2048>}]} {
    %get3A = arith.constant 0 : index
    %get3A_0 = arith.constant 0 : index
    %get3A_1 = vector.load %arg2[%get3A, %get3A_0] : memref<512x2048xbf16, #tpu.memory_space<vmem>>, vector<512x2048xbf16>
    %get3A_2 = arith.constant 0 : index
    %get3A_3 = arith.constant 0 : index
    %get3A_4 = arith.constant 0 : index
    %get3A_5 = vector.load %arg3[%get3A_2, %get3A_3, %get3A_4] : memref<1x2048x2048xbf16, #tpu.memory_space<vmem>>, vector<1x2048x2048xbf16>
    %get3A_6 = vector.shape_cast %get3A_5 : vector<1x2048x2048xbf16> to vector<2048x2048xbf16>
    %dot_general3A = arith.constant dense<0.000000e+00> : vector<512x2048xf32>
    %dot_general3A_7 = tpu.matmul %get3A_1, %get3A_6, %dot_general3A {dimension_numbers = #tpu.dot_dimension_numbers<[1], [1], [0], [0], [0, 0, 1, 0], [], []>, transpose_lhs_hint = false} : vector<512x2048xbf16>, vector<2048x2048xbf16>, vector<512x2048xf32> -> vector<512x2048xf32>
    %get3A_8 = arith.constant 0 : index
    %get3A_9 = arith.constant 0 : index
    %get3A_10 = arith.constant 0 : index
    %get3A_11 = vector.load %arg4[%get3A_8, %get3A_9, %get3A_10] : memref<1x1x2048xf32, #tpu.memory_space<vmem>>, vector<1x1x2048xf32>
    %get3A_12 = vector.shape_cast %get3A_11 : vector<1x1x2048xf32> to vector<1x2048xf32>
    %add3A = vector.broadcast %get3A_12 : vector<1x2048xf32> to vector<512x2048xf32>
    %add3A_13 = arith.addf %dot_general3A_7, %add3A : vector<512x2048xf32>
    %get3A_14 = arith.constant 0 : index
    %get3A_15 = arith.constant 0 : index
    %get3A_16 = vector.load %arg5[%get3A_14, %get3A_15] : memref<512x1xf32, #tpu.memory_space<vmem>>, vector<512x1xf32>
    %mul3A = vector.broadcast %get3A_16 : vector<512x1xf32> to vector<512x2048xf32>
    %mul3A_17 = arith.mulf %add3A_13, %mul3A : vector<512x2048xf32>
    %swap3A = arith.constant 0 : index
    %swap3A_18 = arith.constant 0 : index
    %swap3A_19 = vector.load %arg6[%swap3A, %swap3A_18] : memref<512x2048xf32, #tpu.memory_space<vmem>>, vector<512x2048xf32>
    tpu.vector_store %arg6[%swap3A, %swap3A_18], %mul3A_17 {strides = array<i32>} : memref<512x2048xf32, #tpu.memory_space<vmem>>, vector<512x2048xf32>,
    return
  }
  func.func @transform_0(%arg0: i32, %arg1: memref<40xi32, #tpu.memory_space<smem>>) -> (i32, i32) {
    %c0_i32 = arith.constant 0 : i32
    %c0_i32_0 = arith.constant 0 : i32
    return %arg0, %c0_i32 : i32, i32
  }
  func.func @transform_1(%arg0: i32, %arg1: memref<40xi32, #tpu.memory_space<smem>>) -> (i32, i32, i32) {
    %get3A = arith.index_cast %arg0 : i32 to index
    %get3A_0 = memref.load %arg1[%get3A] : memref<40xi32, #tpu.memory_space<smem>>
    %c0_i32 = arith.constant 0 : i32
    %c0_i32_1 = arith.constant 0 : i32
    %c0_i32_2 = arith.constant 0 : i32
    return %get3A_0, %c0_i32, %c0_i32_1 : i32, i32, i32
  }
  func.func @transform_2(%arg0: i32, %arg1: memref<40xi32, #tpu.memory_space<smem>>) -> (i32, i32, i32) {
    %get3A = arith.index_cast %arg0 : i32 to index
    %get3A_0 = memref.load %arg1[%get3A] : memref<40xi32, #tpu.memory_space<smem>>
    %c0_i32 = arith.constant 0 : i32
    %c0_i32_1 = arith.constant 0 : i32
    %c0_i32_2 = arith.constant 0 : i32
    return %get3A_0, %c0_i32, %c0_i32_1 : i32, i32, i32
  }
  func.func @transform_3(%arg0: i32, %arg1: memref<40xi32, #tpu.memory_space<smem>>) -> (i32, i32) {
    %c0_i32 = arith.constant 0 : i32
    %c0_i32_0 = arith.constant 0 : i32
    return %arg0, %c0_i32 : i32, i32
  }
  func.func @transform_4(%arg0: i32, %arg1: memref<40xi32, #tpu.memory_space<smem>>) -> (i32, i32) {
    %c0_i32 = arith.constant 0 : i32
    %c0_i32_0 = arith.constant 0 : i32
    return %arg0, %c0_i32 : i32, i32
  }
}

</mosaic_0001>

<sc_bundles>
// kernel: kernel.6.cloned.1.call-start
scs
__scs_entry_jumppad:
0x0: {  	(pc) =	sbr.rel $0x88, $3  }
0x1: {  	(tag) =	ssettag $0x0;
	lr =	simm.s32 $0x1  }
0x2: {  	[smem:$0x3F9C] =	sst lr;
	_ =	strace $0xD0000000  }
0x3: {  	_ = 	snop  }
0x4: {  	_ = 	snop  }
0x5: {  	_ = 	snop  }
0x6: {  	_ = 	snop  }
0x7: {  	_ = 	snop  }
__scs_overlays_trampoline_lowered:
0x8: {  	[smem:$0x3FAB] =	sst s0  }
0x9: {  	[smem:$0x3FAC] =	sst s1  }
0xa: {  	[smem:$0x3FAD] =	sst s2  }
0xb: {  	[smem:$0x3FAE] =	sst s3  }
0xc: {  	[smem:$0x3FAF] =	sst s4  }
0xd: {  	[smem:$0x3FB0] =	sst s5  }
0xe: {  	[smem:$0x3FB1] =	sst s6  }
0xf: {  	[smem:$0x3FB2] =	sst s7  }
0x10: {  	[smem:$0x3FB3] =	sst s8  }
0x11: {  	[smem:$0x3FB4] =	sst s9;
	s0 =	simm.s32 @!p0 $0x0  }
0x12: {  	s1 =	sld [smem:$0x3F9A];
	s0 =	simm.s32 @p0 $0x1  }
0x13: {  	[smem:$0x3FB5] =	sst s0;
	s0 =	simm.s32 @!p1 $0x0  }
0x14: {  	s2 =	sld [smem:$0x3F99];
	s0 =	simm.s32 @p1 $0x1  }
0x15: {  	[smem:$0x3FB6] =	sst s0;
	s0 =	simm.s32 @!p2 $0x0  }
0x16: {  	s3 =	sld [smem:$0x3FDB];
	s0 =	simm.s32 @p2 $0x1  }
0x17: {  	s4 =	simm.s32 $0x1BF5;
	[smem:$0x3FB8] =	sst s0  }
0x18: {  	s0 =	sld [smem:$0x3F9B];
	_ =	swait.ge [sflag:s4], $0x0  }
0x19: {  	s7 =	sld [smem:$0x3F9C]  }
0x1a: {  	s8 =	sadd.s32 $0xFFFFE003, lr  }
0x1b: {  	s9 =	sadd.s32 $0xFFFFFEF7, lr;
	s5 =	simm.s32 $0xFFFFFFFF;
	p2 =	slt.u32 s8, $0xFFFFF086  }
0x1c: {  	p1 =	slt.u32 s9, $0xF7A;
	s5 =	simm.s32 @!p2 $0x0  }
0x1d: {  	s5 =	simm.s32 @p1 $0x1;
	p0 =	seq.s32 s7, s2  }
0x1e: {  	s7 =	smul.u32 @!p0 $0xF7A, s2;
	p2 =	seq.s32 @!p0 s5, $0x0  }
0x1f: {  	s9 =	smul.u32 $0xF7A, s1;
	s8 =	simm.s32 @!p0 $0x1BF5;
	p2 =	por !p2, p0  }
0x20: {  	[sflag:s8] =	ssyncset.s32 @!p0 $0xFFFFF086;
	s6 =	sadd.s32 @!p0 s3, s7;
	s7 =	simm.s32 @!p0 $0x108  }
0x21: {  	s3 =	sadd.s32 s3, s9;
	s6 =	sadd.s32 @!p0 $0x88, s6;
	s7 =	simm.s32 @p2 $0x1082  }
0x22: {  	[simem:s7], [sflag:s8] =	dma.local @!p0 [hbm:s6], $0xF7A  }
0x23: {  	s9 =	sor.u32 $0xD0000000, s2;
	s6 =	simm.s32 $0x108;
	_ =	swait.ge @!p0 [sflag:s8], $0x0  }
0x24: {  	s3 =	sadd.s32 $0x88, s3;
	s6 =	simm.s32 @!p1 $0x1082;
	[sflag:s4] =	ssyncset.s32 $0xFFFFF086  }
0x25: {  	[simem:s6], [sflag:s4] =	dma.local [hbm:s3], $0xF7A  }
0x26: {  	[smem:$0x3F9C] =	sst s1;
	(tag) =	ssettag s2;
	_ =	strace s9  }
0x27: {  	s1 =	sld [smem:$0x3FAC]  }
0x28: {  	s2 =	sld [smem:$0x3FAD]  }
0x29: {  	s4 =	sld [smem:$0x3FAF]  }
0x2a: {  	p0 =	seq.s32 s5, $0x0;
	s5 =	sld [smem:$0x3FB0]  }
0x2b: {  	s6 =	sld [smem:$0x3FB1]  }
0x2c: {  	s7 =	sld [smem:$0x3FB2]  }
0x2d: {  	s3 =	simm.s32 $0x108;
	s8 =	sld [smem:$0x3FB3]  }
0x2e: {  	s3 =	simm.s32 @!p0 $0x1082;
	s9 =	sld [smem:$0x3FB4]  }
0x2f: {  	lr =	sadd.s32 s0, s3;
	s0 =	sld [smem:$0x3FAB]  }
0x30: {  	s3 =	sld [smem:$0x3FAE]  }
0x31: {  	[smem:$0x3FB7] =	sst s10  }
0x32: {  	s10 =	sld [smem:$0x3FB5];
	_ =	sdelay $0x3  }
0x33: {  	p0 =	seq.s32 s10, $0x1;
	s10 =	sld [smem:$0x3FB7];
	_ =	sdelay $0x3  }
0x34: {  	[smem:$0x3FB7] =	sst s10  }
0x35: {  	s10 =	sld [smem:$0x3FB6];
	_ =	sdelay $0x3  }
0x36: {  	p1 =	seq.s32 s10, $0x1;
	s10 =	sld [smem:$0x3FB7];
	_ =	sdelay $0x3  }
0x37: {  	[smem:$0x3FB7] =	sst s10  }
0x38: {  	s10 =	sld [smem:$0x3FB8]  }
0x39: {  	_ = 	snop;
	(pc) =	sbr.ind lr, $3  }
0x3a: {  	_ = 	snop  }
0x3b: {  	_ = 	snop  }
0x3c: {  	p2 =	seq.s32 s10, $0x1;
	s10 =	sld [smem:$0x3FB7]  }
0x3d: {  	_ =	shalt  }
0x3e: {  	_ =	shalt  }
0x3f: {  	_ =	shalt  }
0x40: {  	_ =	shalt  }
0x41: {  	_ =	shalt  }
0x42: {  	_ =	shalt  }
0x43: {  	_ =	shalt  }
0x44: {  	_ =	shalt  }
0x45: {  	_ =	shalt  }
0x46: {  	_ =	shalt  }
0x47: {  	_ =	shalt  }
0x48: {  	_ =	shalt  }
0x49: {  	_ =	shalt  }
0x4a: {  	_ =	shalt  }
0x4b: {  	_ =	shalt  }
0x4c: {  	_ =	shalt  }
0x4d: {  	_ =	shalt  }
0x4e: {  	_ =	shalt  }
0x4f: {  	_ =	shalt  }
0x50: {  	_ =	shalt  }
0x51: {  	_ =	shalt  }
0x52: {  	_ =	shalt  }
0x53: {  	_ =	shalt  }
0x54: {  	_ =	shalt  }
0x55: {  	_ =	shalt  }
0x56: {  	_ =	shalt  }
0x57: {  	_ =	shalt  }
0x58: {  	_ =	shalt  }
0x59: {  	_ =	shalt  }
0x5a: {  	_ =	shalt  }
0x5b: {  	_ =	shalt  }
0x5c: {  	_ =	shalt  }
0x5d: {  	_ =	shalt  }
0x5e: {  	_ =	shalt  }
0x5f: {  	_ =	shalt  }
0x60: {  	_ =	shalt  }
0x61: {  	_ =	shalt  }
0x62: {  	_ =	shalt  }
0x63: {  	_ =	shalt  }
0x64: {  	_ =	shalt  }
0x65: {  	_ =	shalt  }
0x66: {  	_ =	shalt  }
0x67: {  	_ =	shalt  }
0x68: {  	_ =	shalt  }
0x69: {  	_ =	shalt  }
0x6a: {  	_ =	shalt  }
0x6b: {  	_ =	shalt  }
0x6c: {  	_ =	shalt  }
0x6d: {  	_ =	shalt  }
0x6e: {  	_ =	shalt  }
0x6f: {  	_ =	shalt  }
0x70: {  	_ =	shalt  }
0x71: {  	_ =	shalt  }
0x72: {  	_ =	shalt  }
0x73: {  	_ =	shalt  }
0x74: {  	_ =	shalt  }
0x75: {  	_ =	shalt  }
0x76: {  	_ =	shalt  }
0x77: {  	_ =	shalt  }
0x78: {  	_ =	shalt  }
0x79: {  	_ =	shalt  }
0x7a: {  	_ =	shalt  }
0x7b: {  	_ =	shalt  }
0x7c: {  	_ =	shalt  }
0x7d: {  	_ =	shalt  }
0x7e: {  	_ =	shalt  }
0x7f: {  	_ =	shalt  }
0x80: {  	_ =	shalt  }
0x81: {  	_ =	shalt  }
0x82: {  	_ =	shalt  }
0x83: {  	_ =	shalt  }
0x84: {  	_ =	shalt  }
0x85: {  	_ =	shalt  }
0x86: {  	_ =	shalt  }
0x87: {  	_ =	shalt  }
.Lfunc_end0:
.L_simem_size_0:
called_computation.4_lowered:
.L_overlay_start_0:
0x88: {  	s2 =	sld [smem:$0x3FD9]  }
0x89: {  	s3 =	sld [smem:$0x3FFE];
	_ =	sdelay $0x1  }
0x8a: {  	s1 =	srdreg.scid  }
0x8b: {  	s0 =	sand.u32 $0x1, s1  }
0x8c: {  	s14 =	sshll.u32 s0, $0xA;
	s2 =	sadd.s32 s3, s2  }
0x8d: {  	s2 =	sadd.s32 s2, s14  }
0x8e: {  	[smem:$0x3FC3] =	sst s2  }
0x8f: {  	_ = 	snop  }
0x90: {  	s2 =	sld [smem:$0x3FD0];
	_ =	sdelay $0x2  }
0x91: {  	s15 =	simm.s32 $0xA;
	s4 =	simm.s32 $0x10  }
0x92: {  	[smem:s4], [sflag:s15] =	dma.local [hbm:s2], $0x1  }
0x93: {  	_ =	swait.eq [sflag:s15], $0x1  }
0x94: {  	[sflag:s15] =	ssyncset.done $0x0  }
0x95: {  	s16 =	sld [smem:$0x10];
	[sflag:s15] =	ssyncadd.s32 $0xFFFFFFFF  }
0x96: {  	s17 =	sld [smem:$0x11];
	(tm) =	ssettm $0x1  }
0x97: {  	s18 =	sld [smem:$0x3FFB];
	_ =	sdelay $0x3  }
0x98: {  	_ =	strace s18  }
0x99: {  	s4 =	sld [smem:$0x3FFC];
	_ =	sdelay $0x3  }
0x9a: {  	_ =	strace s4  }
0x9b: {  	s4 =	sld [smem:$0x3FFD];
	_ =	sdelay $0x3  }
0x9c: {  	_ =	strace s4  }
0x9d: {  	_ =	strace $0x8FFFFFFF  }
0x9e: {  	s19 =	sld [smem:$0x3FDB];
	_ =	sdelay $0x1  }
0x9f: {  	s5 =	simm.s32 $_scs_section_size  }
0xa0: {  	s6 =	simm.s32 $_size__tile_overlayer_lowered;
	s7 =	simm.s32 $_tile_overlayer_lowered  }
0xa1: {  	s22 =	simm.s32 $0x1BFF;
	s21 =	sshll.u32 s7, $0x1;
	s4 =	sadd.s32 s5, s19  }
0xa2: {  	s8 =	simm.s32 $0x0;
	s20 =	sshll.u32 s6, $0x1;
	s6 =	sadd.s32 s21, s4  }
0xa3: {  	[timem:s8], [sflag:s22] =	dma.local [hbm:s6], s20  }
0xa4: {  	_ =	swait.ge [sflag:s22], s20  }
0xa5: {  	s5 =	ssub.s32 $0x0, s20;
	[sflag:s22] =	ssyncset.done $0x0  }
0xa6: {  	[sflag:s22] =	ssyncadd.s32 s5;
	_ =	sdelay $0x1  }
0xa7: {  	s23 =	simm.s32 $0x1B8B  }
0xa8: {  	_ =	swait.ge [sflag:s23], $0x1  }
0xa9: {  	[sflag:s23] =	ssyncset.done $0x0  }
0xaa: {  	s25 =	simm.s32 $0x1B8E;
	s24 =	sld [smem:$0x3FFE];
	[sflag:s23] =	ssyncadd.s32 $0xFFFFFFFF  }
0xab: {  	s26 =	simm.s32 $execute0_lowered;
	[smem:$0x3FD2] =	sst s25  }
0xac: {  	s6 =	sshll.u32 s26, $0x1;
	_ =	strace $0x8000004C;
	[dreg:$0x1] =	wrdreg $0xFFFFFFFF  }
0xad: {  	s28 =	simm.s32 $_size_execute0_lowered;
	s4 =	sadd.s32 s4, s6;
	[dreg:$0x0] =	wrdreg $0x0  }
0xae: {  	s6 =	sshll.u32 s28, $0x1;
	[dreg:$0x2] =	wrdreg s4  }
0xaf: {  	[dreg:$0x3] =	wrdreg s6  }
0xb0: {  	[dreg:$0x4] =	wrdreg $0xC0  }
0xb1: {  	_ =	task [dreg:s8], $0x5FFFF  }
0xb2: {  	[dreg:$0x1] =	wrdreg $0xFFFFFFFF  }
0xb3: {  	[dreg:$0x0] =	wrdreg $0x60  }
0xb4: {  	[dreg:$0x2] =	wrdreg s16  }
0xb5: {  	[dreg:$0x3] =	wrdreg s17  }
0xb6: {  	[dreg:$0x4] =	wrdreg s24  }
0xb7: {  	[dreg:$0x5] =	wrdreg $0x9  }
0xb8: {  	_ =	task.clear_ibuf [dreg:s8], $0x6FFFF;
	_ =	strace $0x9000004C  }
0xb9: {  	s29 =	simm.s32 $0x9;
	_ =	strace $0x8000004E  }
0xba: {  	_ =	swait.ge [sflag:s29], $0x1  }
0xbb: {  	[sflag:s29] =	ssyncadd.s32 $0xFFFFFFFF  }
0xbc: {  	_ =	strace $0x9000004E  }
0xbd: {  	_ =	sfence  }
0xbe: {  	s30 =	sld [smem:$0x0];
	_ =	sdelay $0x2  }
0xbf: {  	s31 =	sshll.u32 s1, $0xD;
	s1 =	sshrl.u32 s1, $0x2  }
0xc0: {  	s3 =	sand.u32 $0x4000, s31;
	s1 =	sadd.s32 s1, s30  }
0xc1: {  	s0 =	sor.u32 s3, s0;
	s1 =	sshll.u32 s1, $0x11  }
0xc2: {  	s0 =	sor.u32 s1, s0  }
0xc3: {  	s0 =	sadd.s32 $0x8F2B, s0  }
0xc4: {  	[sflag:s0] =	ssyncadd.remote.s32 $0x1  }
0xc5: {  	_ =	sfence.sel $0xFFFF  }
0xc6: {  	[dreg:$0x0] =	wrdreg $0xFFFFFFFF;
	(pc) =	sbr.abs _section_cstart, $3  }
0xc7: {  	[dreg:$0x1] =	wrdreg $0xFFFFFFFF  }
0xc8: {  	_ =	task.clear_ibuf [dreg:s8], $0x2FFFF;
	_ =	strace $0x9FFFFFFF  }
0xc9: {  	(tm) =	ssettm $0x7FFFFFFF  }
tec
execute0_lowered:
.L_overlay_start_1:
0x0: {  	(tag) =	ssettag $0x1  }
0x1: {  	s2 =	rddreg [dreg:$0x0]  }
0x2: {  	s4 =	rddreg [dreg:$0x1]  }
0x3: {  	s7 =	stileid.u32;
	s6 =	rddreg [dreg:$0x2];
	s3 =	simm.s32 $0x0  }
0x4: {  	s0 =	srdreg.scid;
	s11 =	simm.s32 $0x880;
	[smem:$0x7FF] =	sst s3  }
0x5: {  	s13 =	simm.s32 $0x1080;
	_ =	strace $0x8000004D;
	[dreg:$0x5] =	wrdreg s11  }
0x6: {  	s15 =	simm.s32 $0x1880;
	s17 =	simm.s32 $0x2080;
	[dreg:$0x6] =	wrdreg s13  }
0x7: {  	s18 =	simm.s32 $0x2880;
	s19 =	simm.s32 $0x3080;
	[dreg:$0x7] =	wrdreg s15  }
0x8: {  	s20 =	simm.s32 $0x3880;
	s21 =	simm.s32 $0x4080;
	[dreg:$0x8] =	wrdreg s17  }
0x9: {  	s22 =	simm.s32 $0x4880;
	s23 =	simm.s32 $0x5080;
	[dreg:$0x9] =	wrdreg s18  }
0xa: {  	s24 =	simm.s32 $0x5880;
	s9 =	simm.s32 $0x2;
	[dreg:$0xa] =	wrdreg s19  }
0xb: {  	s25 =	simm.s32 $0x6080;
	s26 =	simm.s32 $0x6880;
	[dreg:$0xb] =	wrdreg s20  }
0xc: {  	s28 =	simm.s32 $0xF080;
	s29 =	simm.s32 $0xF880;
	[dreg:$0xc] =	wrdreg s21  }
0xd: {  	s30 =	simm.s32 $0x1;
	s1 =	smul.u32 $0x500, s7;
	[dreg:$0xd] =	wrdreg s22  }
0xe: {  	s0 =	sand.u32 $0x1, s0;
	s10 =	smul.u32 $0x28000, s7;
	[dreg:$0xe] =	wrdreg s23  }
0xf: {  	s31 =	simm.s32 $0x0;
	s5 =	smul.u32 $0x280, s0;
	[dreg:$0xf] =	wrdreg s24  }
0x10: {  	s12 =	ssub.s32 $0x2, s0;
	s0 =	smul.u32 $0x14000, s0;
	[dreg:$0x10] =	wrdreg s25  }
0x11: {  	[dreg:$0x11] =	wrdreg s26;
	s11 =	simm.s32 $0x7080;
	s13 =	simm.s32 $0x8080  }
0x12: {  	s15 =	simm.s32 $0x9080;
	s17 =	simm.s32 $0xA080;
	s18 =	simm.s32 $0xA880  }
0x13: {  	s19 =	simm.s32 $0xB080;
	s20 =	simm.s32 $0xB880;
	s21 =	simm.s32 $0xC080  }
0x14: {  	s22 =	simm.s32 $0xC880;
	s23 =	simm.s32 $0xD080;
	s24 =	simm.s32 $0xD880  }
0x15: {  	s25 =	simm.s32 $0xE080;
	s26 =	simm.s32 $0xE880;
	s8 =	sadd.s32 s10, s6  }
0x16: {  	s14 =	sshrl.u32 s12, $0x1;
	s6 =	sadd.s32 $0x300, s2;
	s10 =	simm.s32 $0x80  }
0x17: {  	s1 =	sadd.s32 s5, s1;
	s16 =	ssub.s32 s12, s14;
	s5 =	sadd.s32 $0x200, s2  }
0x18: {  	s0 =	sadd.s32 s0, s8;
	s12 =	simm.s32 $0x7880;
	s7 =	smax.u32 s16, $0x1  }
0x19: {  	v2 =	vlaneseq.u32;
	s1 =	sshrl.u32 s1, $0x3;
	s0 =	sadd.s32 $0x261C00, s0;
	[dreg:$0x12] =	wrdreg s7  }
0x1a: {  	vm0 =	vmmov $0xffff;
	v1 =	vshrl.u32 v2, $0x3;
	s14 =	simm.s32 $0x8880;
	s1 =	sadd.s32 s1, s4;
	[dreg:$0x13] =	wrdreg s0  }
0x1b: {  	v0 =	vand.u32 $0x7, v2;
	v2 =	vor.u32 $0x8, v2;
	v1 =	vmul.u32 $0x8, v1;
	s16 =	simm.s32 $0x9880;
	s4 =	sadd.s32 $0x100, s2;
	[dreg:$0x4] =	wrdreg s1  }
.LBB2_1:
0x1c: {  	s8 =	rddreg [dreg:$0x13];
	s0 =	simm.s32 $0x0  }
.LBB2_2:
0x1d: {  	s7 =	rddreg [dreg:$0x4]  }
0x1e: {  	s7 =	sadd.s32 s0, s7  }
0x1f: {  	[tilespmem:s3], [sflag:$0x2] =	stream.linear.gather [hbm4b:s7+s3], $0x40, $0x38;
	[tilespmem:$0x10080] =	vst v63  }
0x20: {  	_ =	swait.ge [sflag:s9], $0x40  }
0x21: {  	[sflag:s9] =	ssyncset.done $0x0  }
0x22: {  	[sflag:s9] =	ssyncadd.s32 $0xFFFFFFC0  }
0x23: {  	v3 =	vld [tilespmem:$0x0];
	_ =	sdelay $0x4  }
0x24: {  	v4 =	vshll.u32 v3, $0x3  }
0x25: {  	v3 =	vand.u32 $0x7, v3;
	v4 =	vand.u32 $0xFFFFFFC0, v4  }
0x26: {  	v3 =	vor.u32 v3, v4  }
0x27: {  	v4 =	vperm.xlane v3, v0;
	_ =	sdelay $0x1  }
0x28: {  	v4 =	vadd.s32 v1, v4;
	_ =	sdelay $0x4  }
0x29: {  	[tilespmem:s10], [sflag:$0x1] =	stream.indirect_vreg.gather [hbm4b:s2+s3], $0x80, v4, vm0, $0xb8;
	[tilespmem:$0x10080] =	vst v63  }
0x2a: {  	s7 =	rddreg [dreg:$0x5];
	v3 =	vperm.xlane v3, v2  }
0x2b: {  	[tilespmem:s7], [sflag:$0x1] =	stream.indirect_vreg.gather [hbm4b:s4+s3], $0x80, v4, vm0, $0xb8;
	[tilespmem:$0x10080] =	vst v63  }
0x2c: {  	s1 =	rddreg [dreg:$0x6];
	v3 =	vadd.s32 v1, v3  }
0x2d: {  	[tilespmem:s1], [sflag:$0x1] =	stream.indirect_vreg.gather [hbm4b:s5+s3], $0x80, v4, vm0, $0xb8;
	[tilespmem:$0x10080] =	vst v63  }
0x2e: {  	s7 =	rddreg [dreg:$0x7]  }
0x2f: {  	[tilespmem:s7], [sflag:$0x1] =	stream.indirect_vreg.gather [hbm4b:s6+s3], $0x80, v4, vm0, $0xb8;
	[tilespmem:$0x10080] =	vst v63  }
0x30: {  	s1 =	rddreg [dreg:$0x8]  }
0x31: {  	[tilespmem:s1], [sflag:$0x1] =	stream.indirect_vreg.gather [hbm4b:s2+s3], $0x80, v3, vm0, $0xb8;
	[tilespmem:$0x10080] =	vst v63  }
0x32: {  	s7 =	rddreg [dreg:$0x9]  }
0x33: {  	[tilespmem:s7], [sflag:$0x1] =	stream.indirect_vreg.gather [hbm4b:s4+s3], $0x80, v3, vm0, $0xb8;
	[tilespmem:$0x10080] =	vst v63  }
0x34: {  	s1 =	rddreg [dreg:$0xa]  }
0x35: {  	[tilespmem:s1], [sflag:$0x1] =	stream.indirect_vreg.gather [hbm4b:s5+s3], $0x80, v3, vm0, $0xb8;
	[tilespmem:$0x10080] =	vst v63  }
0x36: {  	s7 =	rddreg [dreg:$0xb]  }
0x37: {  	[tilespmem:s7], [sflag:$0x1] =	stream.indirect_vreg.gather [hbm4b:s6+s3], $0x80, v3, vm0, $0xb8;
	[tilespmem:$0x10080] =	vst v63  }
0x38: {  	v3 =	vld [tilespmem:$0x10];
	_ =	sdelay $0x4  }
0x39: {  	v61 =	vshll.u32 v3, $0x3  }
0x3a: {  	v3 =	vand.u32 $0x7, v3;
	v4 =	vand.u32 $0xFFFFFFC0, v61  }
0x3b: {  	v3 =	vor.u32 v3, v4  }
0x3c: {  	v4 =	vperm.xlane v3, v0;
	_ =	sdelay $0x1  }
0x3d: {  	v4 =	vadd.s32 v1, v4;
	_ =	sdelay $0x3  }
0x3e: {  	s1 =	rddreg [dreg:$0xc]  }
0x3f: {  	[tilespmem:s1], [sflag:$0x1] =	stream.indirect_vreg.gather [hbm4b:s2+s3], $0x80, v4, vm0, $0xb8;
	[tilespmem:$0x10080] =	vst v63  }
0x40: {  	s7 =	rddreg [dreg:$0xd];
	v3 =	vperm.xlane v3, v2  }
0x41: {  	[tilespmem:s7], [sflag:$0x1] =	stream.indirect_vreg.gather [hbm4b:s4+s3], $0x80, v4, vm0, $0xb8;
	[tilespmem:$0x10080] =	vst v63  }
0x42: {  	v3 =	vadd.s32 v1, v3;
	s1 =	rddreg [dreg:$0xe]  }
0x43: {  	[tilespmem:s1], [sflag:$0x1] =	stream.indirect_vreg.gather [hbm4b:s5+s3], $0x80, v4, vm0, $0xb8;
	[tilespmem:$0x10080] =	vst v63  }
0x44: {  	s7 =	rddreg [dreg:$0xf]  }
0x45: {  	[tilespmem:s7], [sflag:$0x1] =	stream.indirect_vreg.gather [hbm4b:s6+s3], $0x80, v4, vm0, $0xb8;
	[tilespmem:$0x10080] =	vst v63  }
0x46: {  	s1 =	rddreg [dreg:$0x10]  }
0x47: {  	[tilespmem:s1], [sflag:$0x1] =	stream.indirect_vreg.gather [hbm4b:s2+s3], $0x80, v3, vm0, $0xb8;
	[tilespmem:$0x10080] =	vst v63  }
0x48: {  	s7 =	rddreg [dreg:$0x11]  }
0x49: {  	[tilespmem:s7], [sflag:$0x1] =	stream.indirect_vreg.gather [hbm4b:s4+s3], $0x80, v3, vm0, $0xb8;
	[tilespmem:$0x10080] =	vst v63  }
0x4a: {  	_ = 	snop  }
0x4b: {  	[tilespmem:s11], [sflag:$0x1] =	stream.indirect_vreg.gather [hbm4b:s5+s3], $0x80, v3, vm0, $0xb8;
	[tilespmem:$0x10080] =	vst v63  }
0x4c: {  	_ = 	snop  }
0x4d: {  	[tilespmem:s12], [sflag:$0x1] =	stream.indirect_vreg.gather [hbm4b:s6+s3], $0x80, v3, vm0, $0xb8;
	[tilespmem:$0x10080] =	vst v63  }
0x4e: {  	v3 =	vld [tilespmem:$0x20];
	_ =	sdelay $0x4  }
0x4f: {  	v62 =	vshll.u32 v3, $0x3  }
0x50: {  	v3 =	vand.u32 $0x7, v3;
	v4 =	vand.u32 $0xFFFFFFC0, v62  }
0x51: {  	v3 =	vor.u32 v3, v4  }
0x52: {  	v4 =	vperm.xlane v3, v0;
	_ =	sdelay $0x1  }
0x53: {  	v4 =	vadd.s32 v1, v4;
	_ =	sdelay $0x4  }
0x54: {  	[tilespmem:s13], [sflag:$0x1] =	stream.indirect_vreg.gather [hbm4b:s2+s3], $0x80, v4, vm0, $0xb8;
	[tilespmem:$0x10080] =	vst v63  }
0x55: {  	v3 =	vperm.xlane v3, v2  }
0x56: {  	[tilespmem:s14], [sflag:$0x1] =	stream.indirect_vreg.gather [hbm4b:s4+s3], $0x80, v4, vm0, $0xb8;
	[tilespmem:$0x10080] =	vst v63  }
0x57: {  	v3 =	vadd.s32 v1, v3  }
0x58: {  	[tilespmem:s15], [sflag:$0x1] =	stream.indirect_vreg.gather [hbm4b:s5+s3], $0x80, v4, vm0, $0xb8;
	[tilespmem:$0x10080] =	vst v63  }
0x59: {  	_ = 	snop  }
0x5a: {  	[tilespmem:s16], [sflag:$0x1] =	stream.indirect_vreg.gather [hbm4b:s6+s3], $0x80, v4, vm0, $0xb8;
	[tilespmem:$0x10080] =	vst v63  }
0x5b: {  	_ = 	snop  }
0x5c: {  	[tilespmem:s17], [sflag:$0x1] =	stream.indirect_vreg.gather [hbm4b:s2+s3], $0x80, v3, vm0, $0xb8;
	[tilespmem:$0x10080] =	vst v63  }
0x5d: {  	_ = 	snop  }
0x5e: {  	[tilespmem:s18], [sflag:$0x1] =	stream.indirect_vreg.gather [hbm4b:s4+s3], $0x80, v3, vm0, $0xb8;
	[tilespmem:$0x10080] =	vst v63  }
0x5f: {  	_ = 	snop  }
0x60: {  	[tilespmem:s19], [sflag:$0x1] =	stream.indirect_vreg.gather [hbm4b:s5+s3], $0x80, v3, vm0, $0xb8;
	[tilespmem:$0x10080] =	vst v63  }
0x61: {  	_ = 	snop  }
0x62: {  	[tilespmem:s20], [sflag:$0x1] =	stream.indirect_vreg.gather [hbm4b:s6+s3], $0x80, v3, vm0, $0xb8;
	[tilespmem:$0x10080] =	vst v63  }
0x63: {  	v3 =	vld [tilespmem:$0x30];
	_ =	sdelay $0x4  }
0x64: {  	v63 =	vshll.u32 v3, $0x3  }
0x65: {  	v3 =	vand.u32 $0x7, v3;
	v4 =	vand.u32 $0xFFFFFFC0, v63  }
0x66: {  	v3 =	vor.u32 v3, v4  }
0x67: {  	v4 =	vperm.xlane v3, v0;
	_ =	sdelay $0x1  }
0x68: {  	v4 =	vadd.s32 v1, v4;
	_ =	sdelay $0x4  }
0x69: {  	[tilespmem:s21], [sflag:$0x1] =	stream.indirect_vreg.gather [hbm4b:s2+s3], $0x80, v4, vm0, $0xb8;
	[tilespmem:$0x10080] =	vst v63  }
0x6a: {  	v3 =	vperm.xlane v3, v2  }
0x6b: {  	[tilespmem:s22], [sflag:$0x1] =	stream.indirect_vreg.gather [hbm4b:s4+s3], $0x80, v4, vm0, $0xb8;
	[tilespmem:$0x10080] =	vst v63  }
0x6c: {  	v3 =	vadd.s32 v1, v3  }
0x6d: {  	[tilespmem:s23], [sflag:$0x1] =	stream.indirect_vreg.gather [hbm4b:s5+s3], $0x80, v4, vm0, $0xb8;
	[tilespmem:$0x10080] =	vst v63  }
0x6e: {  	_ = 	snop  }
0x6f: {  	[tilespmem:s24], [sflag:$0x1] =	stream.indirect_vreg.gather [hbm4b:s6+s3], $0x80, v4, vm0, $0xb8;
	[tilespmem:$0x10080] =	vst v63  }
0x70: {  	_ = 	snop  }
0x71: {  	[tilespmem:s25], [sflag:$0x1] =	stream.indirect_vreg.gather [hbm4b:s2+s3], $0x80, v3, vm0, $0xb8;
	[tilespmem:$0x10080] =	vst v63  }
0x72: {  	_ = 	snop  }
0x73: {  	[tilespmem:s26], [sflag:$0x1] =	stream.indirect_vreg.gather [hbm4b:s4+s3], $0x80, v3, vm0, $0xb8;
	[tilespmem:$0x10080] =	vst v63  }
0x74: {  	_ = 	snop  }
0x75: {  	[tilespmem:s28], [sflag:$0x1] =	stream.indirect_vreg.gather [hbm4b:s5+s3], $0x80, v3, vm0, $0xb8;
	[tilespmem:$0x10080] =	vst v63  }
0x76: {  	_ = 	snop  }
0x77: {  	[tilespmem:s29], [sflag:$0x1] =	stream.indirect_vreg.gather [hbm4b:s6+s3], $0x80, v3, vm0, $0xb8;
	[tilespmem:$0x10080] =	vst v63  }
0x78: {  	_ =	swait.ge [sflag:s30], $0x10000  }
0x79: {  	p0 =	sne.s32 s0, $0x48;
	[sflag:s30] =	ssyncset.done $0x0  }
.Ltmp0:
0x7a: {  	[sflag:s30] =	ssyncadd.s32 $0xFFFF0000;
	(pc) =	sbr.rel @p0 .LBB2_2-.Ltmp0, $4  }
0x7b: {  	[hbm4b:s8+s3] =	stream.linear.scatter [tilespmem:s10], [sflag:$0x2], $0x10000, $0x38;
	[tilespmem:$0x10080] =	vst v63  }
0x7c: {  	_ =	swait.ge [sflag:s9], $0x10000  }
0x7d: {  	[sflag:s9] =	ssyncset.done $0x0  }
0x7e: {  	s0 =	sadd.s32 $0x8, s0;
	s8 =	sadd.s32 $0x2000, s8;
	[sflag:s9] =	ssyncadd.s32 $0xFFFF0000  }
0x7f: {  	s31 =	sadd.s32 $0x1, s31;
	s0 =	rddreg [dreg:$0x12]  }
0x80: {  	p0 =	sne.s32 s31, s0  }
.Ltmp1:
0x81: {  	_ = 	snop;
	(pc) =	sbr.rel @p0 .LBB2_1-.Ltmp1, $1  }
0x82: {  	_ =	sdelay $0x3  }
0x83: {  	_ =	sfence.sel $0x180000  }
0x84: {  	[bflag:$0x0] =	sbarrier.arrive $0xFFFF  }
0x85: {  	_ =	strace $0x9000004D  }
0x86: {  	s0 =	stileid.u32;
	[bflag:$0x2] =	sbarrier.arrive $0xFFFF  }
0x87: {  	p0 =	sne.s32 s0, $0x0;
	s0 =	rddreg [dreg:$0x3]  }
0x88: {  	s0 =	sadd.s32 @!p0 $0x100000, s0  }
0x89: {  	[sflag:s0] =	ssyncadd.tile.s32 @!p0 $0x1;
	_ =	shalt  }
.Lfunc_end2:
_tile_overlayer_lowered:
.L_overlay_start_2:
0x8a: {  	(tag) =	ssettag $0x2  }
0x8b: {  	s0 =	rddreg [dreg:$0x0];
	s2 =	stileid.u32  }
0x8c: {  	s1 =	rddreg [dreg:$0x1];
	p0 =	sne.s32 s2, $0x0  }
0x8d: {  	s3 =	rddreg [dreg:$0x2];
	[bflag:$0x3] =	sbarrier.arrive $0xFFFF;
	s2 =	simm.s32 @!p0 $0x1C02  }
0x8e: {  	[timem:s3], [sflag:s2] =	dma.local @!p0 [hbm:s0], s1  }
0x8f: {  	s0 =	simm.s32 @!p0 $0x2  }
0x90: {  	_ =	swait.ge @!p0 [sflag:s0], s1  }
0x91: {  	s1 =	ssub.s32 @!p0 $0x0, s1;
	[sflag:s0] =	ssyncset.done @!p0 $0x0  }
0x92: {  	[sflag:s0] =	ssyncadd.s32 @!p0 s1  }
0x93: {  	[bflag:$0x3] =	sbarrier.arrive $0xFFFF  }
0x94: {  	_ =	shalt  }

// kernel: kernel.9.cloned.1.call-start
scs
__scs_entry_jumppad:
0x0: {  	(pc) =	sbr.rel $0x88, $3  }
0x1: {  	(tag) =	ssettag $0x0;
	lr =	simm.s32 $0x1  }
0x2: {  	[smem:$0x3F9C] =	sst lr;
	_ =	strace $0xD0000000  }
0x3: {  	_ = 	snop  }
0x4: {  	_ = 	snop  }
0x5: {  	_ = 	snop  }
0x6: {  	_ = 	snop  }
0x7: {  	_ = 	snop  }
__scs_overlays_trampoline_lowered:
0x8: {  	[smem:$0x3FAB] =	sst s0  }
0x9: {  	[smem:$0x3FAC] =	sst s1  }
0xa: {  	[smem:$0x3FAD] =	sst s2  }
0xb: {  	[smem:$0x3FAE] =	sst s3  }
0xc: {  	[smem:$0x3FAF] =	sst s4  }
0xd: {  	[smem:$0x3FB0] =	sst s5  }
0xe: {  	[smem:$0x3FB1] =	sst s6  }
0xf: {  	[smem:$0x3FB2] =	sst s7  }
0x10: {  	[smem:$0x3FB3] =	sst s8  }
0x11: {  	[smem:$0x3FB4] =	sst s9;
	s0 =	simm.s32 @!p0 $0x0  }
0x12: {  	s1 =	sld [smem:$0x3F9A];
	s0 =	simm.s32 @p0 $0x1  }
0x13: {  	[smem:$0x3FB5] =	sst s0;
	s0 =	simm.s32 @!p1 $0x0  }
0x14: {  	s2 =	sld [smem:$0x3F99];
	s0 =	simm.s32 @p1 $0x1  }
0x15: {  	[smem:$0x3FB6] =	sst s0;
	s0 =	simm.s32 @!p2 $0x0  }
0x16: {  	s3 =	sld [smem:$0x3FDB];
	s0 =	simm.s32 @p2 $0x1  }
0x17: {  	s4 =	simm.s32 $0x1BF5;
	[smem:$0x3FB8] =	sst s0  }
0x18: {  	s0 =	sld [smem:$0x3F9B];
	_ =	swait.ge [sflag:s4], $0x0  }
0x19: {  	s7 =	sld [smem:$0x3F9C]  }
0x1a: {  	s8 =	sadd.s32 $0xFFFFE003, lr  }
0x1b: {  	s9 =	sadd.s32 $0xFFFFFEF7, lr;
	s5 =	simm.s32 $0xFFFFFFFF;
	p2 =	slt.u32 s8, $0xFFFFF086  }
0x1c: {  	p1 =	slt.u32 s9, $0xF7A;
	s5 =	simm.s32 @!p2 $0x0  }
0x1d: {  	s5 =	simm.s32 @p1 $0x1;
	p0 =	seq.s32 s7, s2  }
0x1e: {  	s7 =	smul.u32 @!p0 $0xF7A, s2;
	p2 =	seq.s32 @!p0 s5, $0x0  }
0x1f: {  	s9 =	smul.u32 $0xF7A, s1;
	s8 =	simm.s32 @!p0 $0x1BF5;
	p2 =	por !p2, p0  }
0x20: {  	[sflag:s8] =	ssyncset.s32 @!p0 $0xFFFFF086;
	s6 =	sadd.s32 @!p0 s3, s7;
	s7 =	simm.s32 @!p0 $0x108  }
0x21: {  	s3 =	sadd.s32 s3, s9;
	s6 =	sadd.s32 @!p0 $0x88, s6;
	s7 =	simm.s32 @p2 $0x1082  }
0x22: {  	[simem:s7], [sflag:s8] =	dma.local @!p0 [hbm:s6], $0xF7A  }
0x23: {  	s9 =	sor.u32 $0xD0000000, s2;
	s6 =	simm.s32 $0x108;
	_ =	swait.ge @!p0 [sflag:s8], $0x0  }
0x24: {  	s3 =	sadd.s32 $0x88, s3;
	s6 =	simm.s32 @!p1 $0x1082;
	[sflag:s4] =	ssyncset.s32 $0xFFFFF086  }
0x25: {  	[simem:s6], [sflag:s4] =	dma.local [hbm:s3], $0xF7A  }
0x26: {  	[smem:$0x3F9C] =	sst s1;
	(tag) =	ssettag s2;
	_ =	strace s9  }
0x27: {  	s1 =	sld [smem:$0x3FAC]  }
0x28: {  	s2 =	sld [smem:$0x3FAD]  }
0x29: {  	s4 =	sld [smem:$0x3FAF]  }
0x2a: {  	p0 =	seq.s32 s5, $0x0;
	s5 =	sld [smem:$0x3FB0]  }
0x2b: {  	s6 =	sld [smem:$0x3FB1]  }
0x2c: {  	s7 =	sld [smem:$0x3FB2]  }
0x2d: {  	s3 =	simm.s32 $0x108;
	s8 =	sld [smem:$0x3FB3]  }
0x2e: {  	s3 =	simm.s32 @!p0 $0x1082;
	s9 =	sld [smem:$0x3FB4]  }
0x2f: {  	lr =	sadd.s32 s0, s3;
	s0 =	sld [smem:$0x3FAB]  }
0x30: {  	s3 =	sld [smem:$0x3FAE]  }
0x31: {  	[smem:$0x3FB7] =	sst s10  }
0x32: {  	s10 =	sld [smem:$0x3FB5];
	_ =	sdelay $0x3  }
0x33: {  	p0 =	seq.s32 s10, $0x1;
	s10 =	sld [smem:$0x3FB7];
	_ =	sdelay $0x3  }
0x34: {  	[smem:$0x3FB7] =	sst s10  }
0x35: {  	s10 =	sld [smem:$0x3FB6];
	_ =	sdelay $0x3  }
0x36: {  	p1 =	seq.s32 s10, $0x1;
	s10 =	sld [smem:$0x3FB7];
	_ =	sdelay $0x3  }
0x37: {  	[smem:$0x3FB7] =	sst s10  }
0x38: {  	s10 =	sld [smem:$0x3FB8]  }
0x39: {  	_ = 	snop;
	(pc) =	sbr.ind lr, $3  }
0x3a: {  	_ = 	snop  }
0x3b: {  	_ = 	snop  }
0x3c: {  	p2 =	seq.s32 s10, $0x1;
	s10 =	sld [smem:$0x3FB7]  }
0x3d: {  	_ =	shalt  }
0x3e: {  	_ =	shalt  }
0x3f: {  	_ =	shalt  }
0x40: {  	_ =	shalt  }
0x41: {  	_ =	shalt  }
0x42: {  	_ =	shalt  }
0x43: {  	_ =	shalt  }
0x44: {  	_ =	shalt  }
0x45: {  	_ =	shalt  }
0x46: {  	_ =	shalt  }
0x47: {  	_ =	shalt  }
0x48: {  	_ =	shalt  }
0x49: {  	_ =	shalt  }
0x4a: {  	_ =	shalt  }
0x4b: {  	_ =	shalt  }
0x4c: {  	_ =	shalt  }
0x4d: {  	_ =	shalt  }
0x4e: {  	_ =	shalt  }
0x4f: {  	_ =	shalt  }
0x50: {  	_ =	shalt  }
0x51: {  	_ =	shalt  }
0x52: {  	_ =	shalt  }
0x53: {  	_ =	shalt  }
0x54: {  	_ =	shalt  }
0x55: {  	_ =	shalt  }
0x56: {  	_ =	shalt  }
0x57: {  	_ =	shalt  }
0x58: {  	_ =	shalt  }
0x59: {  	_ =	shalt  }
0x5a: {  	_ =	shalt  }
0x5b: {  	_ =	shalt  }
0x5c: {  	_ =	shalt  }
0x5d: {  	_ =	shalt  }
0x5e: {  	_ =	shalt  }
0x5f: {  	_ =	shalt  }
0x60: {  	_ =	shalt  }
0x61: {  	_ =	shalt  }
0x62: {  	_ =	shalt  }
0x63: {  	_ =	shalt  }
0x64: {  	_ =	shalt  }
0x65: {  	_ =	shalt  }
0x66: {  	_ =	shalt  }
0x67: {  	_ =	shalt  }
0x68: {  	_ =	shalt  }
0x69: {  	_ =	shalt  }
0x6a: {  	_ =	shalt  }
0x6b: {  	_ =	shalt  }
0x6c: {  	_ =	shalt  }
0x6d: {  	_ =	shalt  }
0x6e: {  	_ =	shalt  }
0x6f: {  	_ =	shalt  }
0x70: {  	_ =	shalt  }
0x71: {  	_ =	shalt  }
0x72: {  	_ =	shalt  }
0x73: {  	_ =	shalt  }
0x74: {  	_ =	shalt  }
0x75: {  	_ =	shalt  }
0x76: {  	_ =	shalt  }
0x77: {  	_ =	shalt  }
0x78: {  	_ =	shalt  }
0x79: {  	_ =	shalt  }
0x7a: {  	_ =	shalt  }
0x7b: {  	_ =	shalt  }
0x7c: {  	_ =	shalt  }
0x7d: {  	_ =	shalt  }
0x7e: {  	_ =	shalt  }
0x7f: {  	_ =	shalt  }
0x80: {  	_ =	shalt  }
0x81: {  	_ =	shalt  }
0x82: {  	_ =	shalt  }
0x83: {  	_ =	shalt  }
0x84: {  	_ =	shalt  }
0x85: {  	_ =	shalt  }
0x86: {  	_ =	shalt  }
0x87: {  	_ =	shalt  }
.Lfunc_end0:
.L_simem_size_0:
called_computation.5_lowered:
.L_overlay_start_0:
0x88: {  	s2 =	sld [smem:$0x3FD9]  }
0x89: {  	s3 =	sld [smem:$0x3FFE];
	_ =	sdelay $0x1  }
0x8a: {  	s1 =	srdreg.scid  }
0x8b: {  	s0 =	sand.u32 $0x1, s1  }
0x8c: {  	s14 =	sshll.u32 s0, $0xA;
	s2 =	sadd.s32 s3, s2  }
0x8d: {  	s2 =	sadd.s32 s2, s14  }
0x8e: {  	[smem:$0x3FC3] =	sst s2  }
0x8f: {  	_ = 	snop  }
0x90: {  	s2 =	sld [smem:$0x3FD0];
	_ =	sdelay $0x2  }
0x91: {  	s15 =	simm.s32 $0xA;
	s4 =	simm.s32 $0x10  }
0x92: {  	[smem:s4], [sflag:s15] =	dma.local [hbm:s2], $0x1  }
0x93: {  	_ =	swait.eq [sflag:s15], $0x1  }
0x94: {  	[sflag:s15] =	ssyncset.done $0x0  }
0x95: {  	[sflag:s15] =	ssyncadd.s32 $0xFFFFFFFF  }
0x96: {  	s16 =	sld [smem:$0x10];
	(tm) =	ssettm $0x1  }
0x97: {  	s17 =	sld [smem:$0x3FFB];
	_ =	sdelay $0x3  }
0x98: {  	_ =	strace s17  }
0x99: {  	s3 =	sld [smem:$0x3FFC];
	_ =	sdelay $0x3  }
0x9a: {  	_ =	strace s3  }
0x9b: {  	s3 =	sld [smem:$0x3FFD];
	_ =	sdelay $0x3  }
0x9c: {  	_ =	strace s3  }
0x9d: {  	_ =	strace $0x8FFFFFFF  }
0x9e: {  	s18 =	sld [smem:$0x3FDB];
	_ =	sdelay $0x1  }
0x9f: {  	s19 =	simm.s32 $_scs_section_size  }
0xa0: {  	s5 =	simm.s32 $_size__tile_overlayer_lowered;
	s6 =	simm.s32 $_tile_overlayer_lowered  }
0xa1: {  	s22 =	simm.s32 $0x1BFF;
	s21 =	sshll.u32 s6, $0x1;
	s3 =	sadd.s32 s19, s18  }
0xa2: {  	s7 =	simm.s32 $0x0;
	s20 =	sshll.u32 s5, $0x1;
	s5 =	sadd.s32 s21, s3  }
0xa3: {  	[timem:s7], [sflag:s22] =	dma.local [hbm:s5], s20  }
0xa4: {  	_ =	swait.ge [sflag:s22], s20  }
0xa5: {  	s4 =	ssub.s32 $0x0, s20;
	[sflag:s22] =	ssyncset.done $0x0  }
0xa6: {  	[sflag:s22] =	ssyncadd.s32 s4;
	_ =	sdelay $0x1  }
0xa7: {  	s23 =	simm.s32 $0x1B8B  }
0xa8: {  	_ =	swait.ge [sflag:s23], $0x1  }
0xa9: {  	[sflag:s23] =	ssyncset.done $0x0  }
0xaa: {  	s25 =	simm.s32 $0x1B8E;
	s24 =	sld [smem:$0x3FFE];
	[sflag:s23] =	ssyncadd.s32 $0xFFFFFFFF  }
0xab: {  	s26 =	simm.s32 $execute0_lowered;
	[smem:$0x3FD2] =	sst s25  }
0xac: {  	s5 =	sshll.u32 s26, $0x1;
	_ =	strace $0x80000055;
	[dreg:$0x1] =	wrdreg $0xFFFFFFFF  }
0xad: {  	s28 =	simm.s32 $_size_execute0_lowered;
	s3 =	sadd.s32 s3, s5;
	[dreg:$0x0] =	wrdreg $0x0  }
0xae: {  	s5 =	sshll.u32 s28, $0x1;
	[dreg:$0x2] =	wrdreg s3  }
0xaf: {  	[dreg:$0x3] =	wrdreg s5  }
0xb0: {  	[dreg:$0x4] =	wrdreg $0xC0  }
0xb1: {  	_ =	task [dreg:s7], $0x5FFFF  }
0xb2: {  	[dreg:$0x1] =	wrdreg $0xFFFFFFFF  }
0xb3: {  	[dreg:$0x0] =	wrdreg $0x60  }
0xb4: {  	[dreg:$0x2] =	wrdreg s24  }
0xb5: {  	[dreg:$0x3] =	wrdreg s16  }
0xb6: {  	[dreg:$0x4] =	wrdreg $0x9  }
0xb7: {  	_ =	task.clear_ibuf [dreg:s7], $0x5FFFF;
	_ =	strace $0x90000055  }
0xb8: {  	s29 =	simm.s32 $0x9;
	_ =	strace $0x80000057  }
0xb9: {  	_ =	swait.ge [sflag:s29], $0x1  }
0xba: {  	[sflag:s29] =	ssyncadd.s32 $0xFFFFFFFF  }
0xbb: {  	_ =	strace $0x90000057  }
0xbc: {  	_ =	sfence  }
0xbd: {  	s30 =	sld [smem:$0x0];
	_ =	sdelay $0x2  }
0xbe: {  	s31 =	sshll.u32 s1, $0xD;
	s1 =	sshrl.u32 s1, $0x2  }
0xbf: {  	s3 =	sand.u32 $0x4000, s31;
	s1 =	sadd.s32 s1, s30  }
0xc0: {  	s0 =	sor.u32 s3, s0;
	s1 =	sshll.u32 s1, $0x11  }
0xc1: {  	s0 =	sor.u32 s1, s0  }
0xc2: {  	s0 =	sadd.s32 $0x8F2B, s0  }
0xc3: {  	[sflag:s0] =	ssyncadd.remote.s32 $0x1  }
0xc4: {  	_ =	sfence.sel $0xFFFF  }
0xc5: {  	[dreg:$0x0] =	wrdreg $0xFFFFFFFF;
	(pc) =	sbr.abs _section_cstart, $3  }
0xc6: {  	[dreg:$0x1] =	wrdreg $0xFFFFFFFF  }
0xc7: {  	_ =	task.clear_ibuf [dreg:s7], $0x2FFFF;
	_ =	strace $0x9FFFFFFF  }
0xc8: {  	(tm) =	ssettm $0x7FFFFFFF  }
0xc9: {  	_ =	shalt  }
tec
execute0_lowered:
.L_overlay_start_1:
0x0: {  	(tag) =	ssettag $0x1  }
0x1: {  	s0 =	rddreg [dreg:$0x0];
	s1 =	simm.s32 $0x0  }
0x2: {  	s24 =	srdreg.scid;
	s7 =	stileid.u32;
	s28 =	simm.s32 $0xD100  }
0x3: {  	s29 =	simm.s32 $0xD900;
	s30 =	simm.s32 $0xE100;
	s31 =	simm.s32 $0xE900  }
0x4: {  	s16 =	simm.s32 $0x2;
	s4 =	sadd.s32 $0x221A00, s0;
	s5 =	sadd.s32 $0x221600, s0  }
0x5: {  	[smem:$0x7FF] =	sst s1;
	s6 =	sadd.s32 $0x221200, s0;
	s25 =	sshll.u32 s7, $0x9  }
0x6: {  	s18 =	simm.s32 $0x100;
	s7 =	sadd.s32 $0x221B00, s0;
	s8 =	sadd.s32 $0x221C00, s0  }
0x7: {  	s15 =	simm.s32 $0x0;
	s9 =	sadd.s32 $0x221D00, s0;
	s11 =	sadd.s32 $0x221E00, s0  }
0x8: {  	s1 =	sand.u32 $0x1, s24;
	s12 =	sadd.s32 $0x221F00, s0;
	s13 =	sadd.s32 $0x222000, s0  }
0x9: {  	s14 =	sadd.s32 $0x222100, s0;
	s24 =	simm.s32 $0xB900;
	s2 =	ssub.s32 $0x2, s1  }
0xa: {  	s0 =	simm.s32 $0xF100;
	s1 =	sshll.u32 s1, $0x8;
	s3 =	sshrl.u32 s2, $0x1  }
0xb: {  	v2 =	vlaneseq.u32;
	_ =	strace $0x80000056;
	s10 =	sor.u32 s1, s25;
	s2 =	ssub.s32 s2, s3  }
0xc: {  	vm0 =	vmmov $0xffff;
	v1 =	vshrl.u32 v2, $0x3;
	s1 =	simm.s32 $0x1;
	s25 =	simm.s32 $0xC100;
	s26 =	smax.u32 s2, $0x1  }
0xd: {  	v0 =	vand.u32 $0x7, v2;
	v2 =	vor.u32 $0x8, v2;
	v1 =	vmul.u32 $0x8, v1;
	s3 =	simm.s32 $0xF900;
	[dreg:$0x3] =	wrdreg s26;
	s26 =	simm.s32 $0xC900  }
.LBB2_1:
0xe: {  	[dreg:$0x4] =	wrdreg s15;
	s15 =	simm.s32 $0x0  }
.LBB2_2:
0xf: {  	s2 =	sshll.u32 s15, $0x4  }
0x10: {  	s2 =	sadd.s32 s10, s2  }
0x11: {  	s19 =	sshrl.u32 s2, $0x3  }
0x12: {  	s17 =	simm.s32 $0x0;
	s20 =	sadd.s32 s5, s19  }
0x13: {  	[tilespmem:s17], [sflag:$0x2] =	stream.linear.gather [hbm4b:s20+s17], $0x10, $0x38;
	[tilespmem:$0x10100] =	vst v63  }
0x14: {  	_ =	swait.ge [sflag:s16], $0x10  }
0x15: {  	[sflag:s16] =	ssyncset.done $0x0  }
0x16: {  	s22 =	simm.s32 $0x80;
	s19 =	sadd.s32 s6, s19;
	[sflag:s16] =	ssyncadd.s32 $0xFFFFFFF0  }
0x17: {  	[tilespmem:s22], [sflag:$0x2] =	stream.linear.gather [hbm4b:s19+s17], $0x10, $0x38;
	[tilespmem:$0x10100] =	vst v63  }
0x18: {  	_ =	swait.ge [sflag:s16], $0x10  }
0x19: {  	[sflag:s16] =	ssyncset.done $0x0  }
0x1a: {  	[sflag:s16] =	ssyncadd.s32 $0xFFFFFFF0  }
0x1b: {  	v3 =	vld [tilespmem:$0x0];
	_ =	sdelay $0x4  }
0x1c: {  	v4 =	vshll.u32 v3, $0x4  }
0x1d: {  	v3 =	vand.u32 $0x7, v3;
	v4 =	vand.u32 $0xFFFFFF80, v4  }
0x1e: {  	v3 =	vor.u32 v3, v4  }
0x1f: {  	v4 =	vperm.xlane v3, v0;
	_ =	sdelay $0x1  }
0x20: {  	v4 =	vadd.s32 v1, v4;
	_ =	sdelay $0x4  }
0x21: {  	[tilespmem:s18], [sflag:$0x1] =	stream.indirect_vreg.gather [hbm4b:s4+s17], $0x80, v4, vm0, $0xb8;
	[tilespmem:$0x10100] =	vst v63  }
0x22: {  	s23 =	simm.s32 $0x900  }
0x23: {  	[tilespmem:s23], [sflag:$0x1] =	stream.indirect_vreg.gather [hbm4b:s7+s17], $0x80, v4, vm0, $0xb8;
	[tilespmem:$0x10100] =	vst v63  }
0x24: {  	s20 =	simm.s32 $0x1100  }
0x25: {  	[tilespmem:s20], [sflag:$0x1] =	stream.indirect_vreg.gather [hbm4b:s8+s17], $0x80, v4, vm0, $0xb8;
	[tilespmem:$0x10100] =	vst v63  }
0x26: {  	s21 =	simm.s32 $0x1900  }
0x27: {  	[tilespmem:s21], [sflag:$0x1] =	stream.indirect_vreg.gather [hbm4b:s9+s17], $0x80, v4, vm0, $0xb8;
	[tilespmem:$0x10100] =	vst v63  }
0x28: {  	s22 =	simm.s32 $0x2100  }
0x29: {  	[tilespmem:s22], [sflag:$0x1] =	stream.indirect_vreg.gather [hbm4b:s11+s17], $0x80, v4, vm0, $0xb8;
	[tilespmem:$0x10100] =	vst v63  }
0x2a: {  	v3 =	vperm.xlane v3, v2;
	s23 =	simm.s32 $0x2900  }
0x2b: {  	[tilespmem:s23], [sflag:$0x1] =	stream.indirect_vreg.gather [hbm4b:s12+s17], $0x80, v4, vm0, $0xb8;
	[tilespmem:$0x10100] =	vst v63  }
0x2c: {  	v3 =	vadd.s32 v1, v3;
	s20 =	simm.s32 $0x3100  }
0x2d: {  	[tilespmem:s20], [sflag:$0x1] =	stream.indirect_vreg.gather [hbm4b:s13+s17], $0x80, v4, vm0, $0xb8;
	[tilespmem:$0x10100] =	vst v63  }
0x2e: {  	s21 =	simm.s32 $0x3900  }
0x2f: {  	[tilespmem:s21], [sflag:$0x1] =	stream.indirect_vreg.gather [hbm4b:s14+s17], $0x80, v4, vm0, $0xb8;
	[tilespmem:$0x10100] =	vst v63  }
0x30: {  	s22 =	simm.s32 $0x4100  }
0x31: {  	[tilespmem:s22], [sflag:$0x1] =	stream.indirect_vreg.gather [hbm4b:s4+s17], $0x80, v3, vm0, $0xb8;
	[tilespmem:$0x10100] =	vst v63  }
0x32: {  	s23 =	simm.s32 $0x4900  }
0x33: {  	[tilespmem:s23], [sflag:$0x1] =	stream.indirect_vreg.gather [hbm4b:s7+s17], $0x80, v3, vm0, $0xb8;
	[tilespmem:$0x10100] =	vst v63  }
0x34: {  	s20 =	simm.s32 $0x5100  }
0x35: {  	[tilespmem:s20], [sflag:$0x1] =	stream.indirect_vreg.gather [hbm4b:s8+s17], $0x80, v3, vm0, $0xb8;
	[tilespmem:$0x10100] =	vst v63  }
0x36: {  	s21 =	simm.s32 $0x5900  }
0x37: {  	[tilespmem:s21], [sflag:$0x1] =	stream.indirect_vreg.gather [hbm4b:s9+s17], $0x80, v3, vm0, $0xb8;
	[tilespmem:$0x10100] =	vst v63  }
0x38: {  	s22 =	simm.s32 $0x6100  }
0x39: {  	[tilespmem:s22], [sflag:$0x1] =	stream.indirect_vreg.gather [hbm4b:s11+s17], $0x80, v3, vm0, $0xb8;
	[tilespmem:$0x10100] =	vst v63  }
0x3a: {  	s23 =	simm.s32 $0x6900  }
0x3b: {  	[tilespmem:s23], [sflag:$0x1] =	stream.indirect_vreg.gather [hbm4b:s12+s17], $0x80, v3, vm0, $0xb8;
	[tilespmem:$0x10100] =	vst v63  }
0x3c: {  	s20 =	simm.s32 $0x7100  }
0x3d: {  	[tilespmem:s20], [sflag:$0x1] =	stream.indirect_vreg.gather [hbm4b:s13+s17], $0x80, v3, vm0, $0xb8;
	[tilespmem:$0x10100] =	vst v63  }
0x3e: {  	s21 =	simm.s32 $0x7900  }
0x3f: {  	[tilespmem:s21], [sflag:$0x1] =	stream.indirect_vreg.gather [hbm4b:s14+s17], $0x80, v3, vm0, $0xb8;
	[tilespmem:$0x10100] =	vst v63  }
0x40: {  	_ =	swait.ge [sflag:s1], $0x8000  }
0x41: {  	[sflag:s1] =	ssyncset.done $0x0  }
0x42: {  	[sflag:s1] =	ssyncadd.s32 $0xFFFF8000  }
0x43: {  	v3 =	vld [tilespmem:$0x80];
	_ =	sdelay $0x4  }
0x44: {  	v4 =	vshll.u32 v3, $0x4  }
0x45: {  	v3 =	vand.u32 $0x7, v3;
	v4 =	vand.u32 $0xFFFFFF80, v4  }
0x46: {  	v3 =	vor.u32 v3, v4  }
0x47: {  	v4 =	vperm.xlane v3, v0;
	_ =	sdelay $0x1  }
0x48: {  	v4 =	vadd.s32 v1, v4;
	_ =	sdelay $0x3  }
0x49: {  	s22 =	simm.s32 $0x8100  }
0x4a: {  	[tilespmem:s22], [sflag:$0x1] =	stream.indirect_vreg.gather [hbm4b:s4+s17], $0x80, v4, vm0, $0xb8;
	[tilespmem:$0x10100] =	vst v63  }
0x4b: {  	s23 =	simm.s32 $0x8900  }
0x4c: {  	[tilespmem:s23], [sflag:$0x1] =	stream.indirect_vreg.gather [hbm4b:s7+s17], $0x80, v4, vm0, $0xb8;
	[tilespmem:$0x10100] =	vst v63  }
0x4d: {  	s20 =	simm.s32 $0x9100  }
0x4e: {  	[tilespmem:s20], [sflag:$0x1] =	stream.indirect_vreg.gather [hbm4b:s8+s17], $0x80, v4, vm0, $0xb8;
	[tilespmem:$0x10100] =	vst v63  }
0x4f: {  	s21 =	simm.s32 $0x9900  }
0x50: {  	[tilespmem:s21], [sflag:$0x1] =	stream.indirect_vreg.gather [hbm4b:s9+s17], $0x80, v4, vm0, $0xb8;
	[tilespmem:$0x10100] =	vst v63  }
0x51: {  	s22 =	simm.s32 $0xA100  }
0x52: {  	[tilespmem:s22], [sflag:$0x1] =	stream.indirect_vreg.gather [hbm4b:s11+s17], $0x80, v4, vm0, $0xb8;
	[tilespmem:$0x10100] =	vst v63  }
0x53: {  	v3 =	vperm.xlane v3, v2;
	s23 =	simm.s32 $0xA900  }
0x54: {  	[tilespmem:s23], [sflag:$0x1] =	stream.indirect_vreg.gather [hbm4b:s12+s17], $0x80, v4, vm0, $0xb8;
	[tilespmem:$0x10100] =	vst v63  }
0x55: {  	v3 =	vadd.s32 v1, v3;
	s20 =	simm.s32 $0xB100  }
0x56: {  	[tilespmem:s20], [sflag:$0x1] =	stream.indirect_vreg.gather [hbm4b:s13+s17], $0x80, v4, vm0, $0xb8;
	[tilespmem:$0x10100] =	vst v63  }
0x57: {  	_ = 	snop  }
0x58: {  	[tilespmem:s24], [sflag:$0x1] =	stream.indirect_vreg.gather [hbm4b:s14+s17], $0x80, v4, vm0, $0xb8;
	[tilespmem:$0x10100] =	vst v63  }
0x59: {  	_ = 	snop  }
0x5a: {  	[tilespmem:s25], [sflag:$0x1] =	stream.indirect_vreg.gather [hbm4b:s4+s17], $0x80, v3, vm0, $0xb8;
	[tilespmem:$0x10100] =	vst v63  }
0x5b: {  	_ = 	snop  }
0x5c: {  	[tilespmem:s26], [sflag:$0x1] =	stream.indirect_vreg.gather [hbm4b:s7+s17], $0x80, v3, vm0, $0xb8;
	[tilespmem:$0x10100] =	vst v63  }
0x5d: {  	_ = 	snop  }
0x5e: {  	[tilespmem:s28], [sflag:$0x1] =	stream.indirect_vreg.gather [hbm4b:s8+s17], $0x80, v3, vm0, $0xb8;
	[tilespmem:$0x10100] =	vst v63  }
0x5f: {  	_ = 	snop  }
0x60: {  	[tilespmem:s29], [sflag:$0x1] =	stream.indirect_vreg.gather [hbm4b:s9+s17], $0x80, v3, vm0, $0xb8;
	[tilespmem:$0x10100] =	vst v63  }
0x61: {  	_ = 	snop  }
0x62: {  	[tilespmem:s30], [sflag:$0x1] =	stream.indirect_vreg.gather [hbm4b:s11+s17], $0x80, v3, vm0, $0xb8;
	[tilespmem:$0x10100] =	vst v63  }
0x63: {  	_ = 	snop  }
0x64: {  	[tilespmem:s31], [sflag:$0x1] =	stream.indirect_vreg.gather [hbm4b:s12+s17], $0x80, v3, vm0, $0xb8;
	[tilespmem:$0x10100] =	vst v63  }
0x65: {  	s21 =	simm.s32 $0x0  }
0x66: {  	[tilespmem:s0], [sflag:$0x1] =	stream.indirect_vreg.gather [hbm4b:s13+s17], $0x80, v3, vm0, $0xb8;
	[tilespmem:$0x10100] =	vst v63  }
0x67: {  	s19 =	sand.u32 $0x4000, s21  }
0x68: {  	[tilespmem:s3], [sflag:$0x1] =	stream.indirect_vreg.gather [hbm4b:s14+s17], $0x80, v3, vm0, $0xb8;
	[tilespmem:$0x10100] =	vst v63  }
0x69: {  	s21 =	simm.s32 $0x0;
	s22 =	sand.u32 $0x3C00, s17;
	_ =	swait.ge [sflag:s1], $0x8000  }
0x6a: {  	s19 =	sor.u32 s22, s19;
	s23 =	sand.u32 $0x380, s21;
	[sflag:s1] =	ssyncset.done $0x0  }
0x6b: {  	s19 =	sor.u32 s23, s19;
	[sflag:s1] =	ssyncadd.s32 $0xFFFF8000  }
0x6c: {  	v10 =	vld [tilespmem:s19+$0x8100]  }
0x6d: {  	v9 =	vld [tilespmem:s19+$0x8110]  }
0x6e: {  	v8 =	vld [tilespmem:s19+$0x8120]  }
0x6f: {  	v7 =	vld [tilespmem:s19+$0x8130]  }
0x70: {  	v6 =	vld [tilespmem:s19+$0x8140]  }
0x71: {  	v5 =	vld [tilespmem:s19+$0x8150]  }
0x72: {  	v4 =	vld [tilespmem:s19+$0x8160]  }
0x73: {  	v3 =	vld [tilespmem:s19+$0x8170]  }
0x74: {  	v14 =	vld [tilespmem:s19+$0x100]  }
0x75: {  	v13 =	vld [tilespmem:s19+$0x110]  }
0x76: {  	v12 =	vld [tilespmem:s19+$0x120]  }
0x77: {  	s20 =	simm.s32 $0x1;
	v11 =	vld [tilespmem:s19+$0x130]  }
.LBB2_3:
0x78: {  	s21 =	sshll.u32 s20, $0x7;
	p0 =	sne.s32 s20, $0xFF;
	v15 =	vld [tilespmem:s19+$0x140];
	s17 =	sadd.s32 $0x400, s17  }
0x79: {  	s23 =	sshll.u32 s20, $0x3;
	s21 =	sand.u32 $0x4000, s21;
	s22 =	sand.u32 $0x3C00, s17;
	v10 =	vadd.f32 v10, v14;
	v14 =	vld [tilespmem:s19+$0x150]  }
0x7a: {  	s21 =	sor.u32 s22, s21;
	s22 =	sand.u32 $0x380, s23;
	v9 =	vadd.f32 v9, v13;
	v13 =	vld [tilespmem:s19+$0x160]  }
0x7b: {  	s21 =	sor.u32 s22, s21;
	[tilespmem:s19+$0x100] =	vst v10;
	v8 =	vadd.f32 v8, v12;
	v12 =	vld [tilespmem:s19+$0x170]  }
0x7c: {  	v10 =	vld [tilespmem:s21+$0x8100];
	[tilespmem:s19+$0x110] =	vst v9;
	v7 =	vadd.f32 v7, v11  }
0x7d: {  	v9 =	vld [tilespmem:s21+$0x8110];
	[tilespmem:s19+$0x120] =	vst v8;
	v6 =	vadd.f32 v6, v15  }
0x7e: {  	v8 =	vld [tilespmem:s21+$0x8120];
	[tilespmem:s19+$0x130] =	vst v7;
	v5 =	vadd.f32 v5, v14  }
0x7f: {  	v7 =	vld [tilespmem:s21+$0x8130];
	[tilespmem:s19+$0x140] =	vst v6;
	v4 =	vadd.f32 v4, v13  }
0x80: {  	v6 =	vld [tilespmem:s21+$0x8140];
	[tilespmem:s19+$0x150] =	vst v5;
	v3 =	vadd.f32 v3, v12  }
0x81: {  	v5 =	vld [tilespmem:s21+$0x8150];
	[tilespmem:s19+$0x160] =	vst v4  }
0x82: {  	v4 =	vld [tilespmem:s21+$0x8160];
	[tilespmem:s19+$0x170] =	vst v3;
	s19 =	smov.u32 s21  }
.Ltmp0:
0x83: {  	v3 =	vld [tilespmem:s19+$0x8170];
	(pc) =	sbr.rel @p0 .LBB2_3-.Ltmp0, $4  }
0x84: {  	v14 =	vld [tilespmem:s19+$0x100]  }
0x85: {  	v13 =	vld [tilespmem:s19+$0x110]  }
0x86: {  	v12 =	vld [tilespmem:s19+$0x120]  }
0x87: {  	s20 =	sadd.s32 $0x1, s20;
	v11 =	vld [tilespmem:s19+$0x130]  }
0x88: {  	v15 =	vld [tilespmem:s19+$0x140]  }
0x89: {  	v61 =	vld [tilespmem:s19+$0x150];
	v10 =	vadd.f32 v10, v14  }
0x8a: {  	v62 =	vld [tilespmem:s19+$0x160];
	v9 =	vadd.f32 v9, v13  }
0x8b: {  	v63 =	vld [tilespmem:s19+$0x170];
	[tilespmem:s19+$0x100] =	vst v10;
	v8 =	vadd.f32 v8, v12  }
0x8c: {  	[tilespmem:s19+$0x110] =	vst v9;
	v7 =	vadd.f32 v7, v11  }
0x8d: {  	[tilespmem:s19+$0x120] =	vst v8;
	v6 =	vadd.f32 v6, v15  }
0x8e: {  	v5 =	vadd.f32 v5, v61;
	[tilespmem:s19+$0x130] =	vst v7  }
0x8f: {  	v4 =	vadd.f32 v4, v62;
	[tilespmem:s19+$0x140] =	vst v6  }
0x90: {  	s15 =	sadd.s32 $0x1, s15;
	v3 =	vadd.f32 v3, v63;
	[tilespmem:s19+$0x150] =	vst v5  }
0x91: {  	s2 =	sshll.u32 s2, $0x8;
	s17 =	rddreg [dreg:$0x1];
	p0 =	sne.s32 s15, $0x10;
	[tilespmem:s19+$0x160] =	vst v4  }
.Ltmp1:
0x92: {  	s23 =	simm.s32 $0x0;
	s2 =	sadd.s32 s17, s2;
	[tilespmem:s19+$0x170] =	vst v3;
	(pc) =	sbr.rel @p0 .LBB2_2-.Ltmp1, $4  }
0x93: {  	[hbm4b:s2+s23] =	stream.linear.scatter [tilespmem:s18], [sflag:$0x2], $0x8000, $0x38;
	[tilespmem:$0x10100] =	vst v63  }
0x94: {  	_ =	swait.ge [sflag:s16], $0x8000  }
0x95: {  	[sflag:s16] =	ssyncset.done $0x0  }
0x96: {  	[sflag:s16] =	ssyncadd.s32 $0xFFFF8000  }
0x97: {  	s15 =	rddreg [dreg:$0x4]  }
0x98: {  	s2 =	rddreg [dreg:$0x3];
	s15 =	sadd.s32 $0x1, s15  }
0x99: {  	p0 =	sne.s32 s15, s2  }
.Ltmp2:
0x9a: {  	_ = 	snop;
	(pc) =	sbr.rel @p0 .LBB2_1-.Ltmp2, $1  }
0x9b: {  	_ =	sdelay $0x3  }
0x9c: {  	_ =	sfence.sel $0x180000  }
0x9d: {  	[bflag:$0x0] =	sbarrier.arrive $0xFFFF  }
0x9e: {  	_ =	strace $0x90000056  }
0x9f: {  	s0 =	stileid.u32;
	[bflag:$0x2] =	sbarrier.arrive $0xFFFF  }
0xa0: {  	p0 =	sne.s32 s0, $0x0;
	s0 =	rddreg [dreg:$0x2]  }
0xa1: {  	s0 =	sadd.s32 @!p0 $0x100000, s0  }
0xa2: {  	[sflag:s0] =	ssyncadd.tile.s32 @!p0 $0x1;
	_ =	shalt  }
.Lfunc_end2:
_tile_overlayer_lowered:
.L_overlay_start_2:
0xa3: {  	(tag) =	ssettag $0x2  }
0xa4: {  	s0 =	rddreg [dreg:$0x0];
	s2 =	stileid.u32  }
0xa5: {  	s1 =	rddreg [dreg:$0x1];
	p0 =	sne.s32 s2, $0x0  }
0xa6: {  	s3 =	rddreg [dreg:$0x2];
	[bflag:$0x3] =	sbarrier.arrive $0xFFFF;
	s2 =	simm.s32 @!p0 $0x1C02  }
0xa7: {  	[timem:s3], [sflag:s2] =	dma.local @!p0 [hbm:s0], s1  }
0xa8: {  	s0 =	simm.s32 @!p0 $0x2  }
0xa9: {  	_ =	swait.ge @!p0 [sflag:s0], s1  }
0xaa: {  	s1 =	ssub.s32 @!p0 $0x0, s1;
	[sflag:s0] =	ssyncset.done @!p0 $0x0  }
0xab: {  	[sflag:s0] =	ssyncadd.s32 @!p0 s1  }
0xac: {  	[bflag:$0x3] =	sbarrier.arrive $0xFFFF  }
0xad: {  	_ =	shalt  }

// kernel: sparse-core-data-format-call.1.cloned.1.call-start
scs
called_computation.1_lowered:
.L_overlay_start_0:
0x0: {  	s1 =	sld [smem:$0x3FD9]  }
0x1: {  	s2 =	sld [smem:$0x3FFE];
	_ =	sdelay $0x1  }
0x2: {  	s3 =	srdreg.scid  }
0x3: {  	s0 =	sand.u32 $0x1, s3  }
0x4: {  	s17 =	sshll.u32 s0, $0xA;
	s1 =	sadd.s32 s2, s1  }
0x5: {  	s1 =	sadd.s32 s1, s17  }
0x6: {  	[smem:$0x3FC3] =	sst s1  }
0x7: {  	_ = 	snop  }
0x8: {  	(tm) =	ssettm $0x1  }
0x9: {  	s18 =	sld [smem:$0x3FFB];
	_ =	sdelay $0x3  }
0xa: {  	_ =	strace s18  }
0xb: {  	s1 =	sld [smem:$0x3FFC];
	_ =	sdelay $0x3  }
0xc: {  	_ =	strace s1  }
0xd: {  	s1 =	sld [smem:$0x3FFD];
	_ =	sdelay $0x3  }
0xe: {  	_ =	strace s1  }
0xf: {  	_ =	strace $0x8FFFFFFF  }
0x10: {  	s19 =	sld [smem:$0x3FDB];
	_ =	sdelay $0x1  }
0x11: {  	s20 =	simm.s32 $_scs_section_size  }
0x12: {  	s4 =	simm.s32 $_size__tile_overlayer_lowered;
	s5 =	simm.s32 $_tile_overlayer_lowered  }
0x13: {  	s23 =	simm.s32 $0x1BFF;
	s22 =	sshll.u32 s5, $0x1;
	s1 =	sadd.s32 s20, s19  }
0x14: {  	s6 =	simm.s32 $0x0;
	s21 =	sshll.u32 s4, $0x1;
	s4 =	sadd.s32 s22, s1  }
0x15: {  	[timem:s6], [sflag:s23] =	dma.local [hbm:s4], s21  }
0x16: {  	_ =	swait.ge [sflag:s23], s21  }
0x17: {  	s2 =	ssub.s32 $0x0, s21;
	[sflag:s23] =	ssyncset.done $0x0  }
0x18: {  	[sflag:s23] =	ssyncadd.s32 s2;
	_ =	sdelay $0x1  }
0x19: {  	s24 =	simm.s32 $0x1B8B  }
0x1a: {  	_ =	swait.ge [sflag:s24], $0x1  }
0x1b: {  	[sflag:s24] =	ssyncset.done $0x0  }
0x1c: {  	s26 =	simm.s32 $0x1B8E;
	s25 =	sld [smem:$0x3FFE];
	[sflag:s24] =	ssyncadd.s32 $0xFFFFFFFF  }
0x1d: {  	s27 =	simm.s32 $execute0_lowered;
	[smem:$0x3FD2] =	sst s26  }
0x1e: {  	s4 =	sshll.u32 s27, $0x1;
	_ =	strace $0x8000004F;
	[dreg:$0x1] =	wrdreg $0xFFFFFFFF  }
0x1f: {  	s28 =	simm.s32 $_size_execute0_lowered;
	s1 =	sadd.s32 s1, s4;
	[dreg:$0x0] =	wrdreg $0x0  }
0x20: {  	s4 =	sshll.u32 s28, $0x1;
	[dreg:$0x2] =	wrdreg s1  }
0x21: {  	[dreg:$0x3] =	wrdreg s4  }
0x22: {  	[dreg:$0x4] =	wrdreg $0xC0  }
0x23: {  	_ =	task [dreg:s6], $0x5FFFF  }
0x24: {  	[dreg:$0x1] =	wrdreg $0xFFFFFFFF  }
0x25: {  	[dreg:$0x0] =	wrdreg $0x60  }
0x26: {  	[dreg:$0x2] =	wrdreg s25  }
0x27: {  	[dreg:$0x3] =	wrdreg $0x9  }
0x28: {  	_ =	task.clear_ibuf [dreg:s6], $0x4FFFF;
	_ =	strace $0x9000004F  }
0x29: {  	s29 =	simm.s32 $0x9;
	_ =	strace $0x80000051  }
0x2a: {  	_ =	swait.ge [sflag:s29], $0x1  }
0x2b: {  	[sflag:s29] =	ssyncadd.s32 $0xFFFFFFFF  }
0x2c: {  	_ =	strace $0x90000051  }
0x2d: {  	_ =	sfence  }
0x2e: {  	s30 =	sld [smem:$0x0];
	_ =	sdelay $0x2  }
0x2f: {  	s31 =	sshll.u32 s3, $0xD;
	s3 =	sshrl.u32 s3, $0x2  }
0x30: {  	s2 =	sand.u32 $0x4000, s31;
	s1 =	sadd.s32 s3, s30  }
0x31: {  	s0 =	sor.u32 s2, s0;
	s1 =	sshll.u32 s1, $0x11  }
0x32: {  	s0 =	sor.u32 s1, s0  }
0x33: {  	s0 =	sadd.s32 $0x8F2B, s0  }
0x34: {  	[sflag:s0] =	ssyncadd.remote.s32 $0x1  }
0x35: {  	_ =	sfence.sel $0xFFFF  }
0x36: {  	[dreg:$0x0] =	wrdreg $0xFFFFFFFF;
	(pc) =	sbr.abs _section_cstart, $3  }
0x37: {  	[dreg:$0x1] =	wrdreg $0xFFFFFFFF  }
0x38: {  	_ =	task.clear_ibuf [dreg:s6], $0x2FFFF;
	_ =	strace $0x9FFFFFFF  }
0x39: {  	(tm) =	ssettm $0x7FFFFFFF  }
tec
execute0_lowered:
.L_overlay_start_1:
0x0: {  	(tag) =	ssettag $0x1  }
0x1: {  	s0 =	srdreg.scid  }
0x2: {  	s1 =	sshll.u32 s0, $0x4  }
0x3: {  	s6 =	rddreg [dreg:$0x0];
	s0 =	stileid.u32;
	s1 =	sand.u32 $0x10, s1  }
0x4: {  	s5 =	simm.s32 $0x1;
	s31 =	simm.s32 $0x2;
	s1 =	sor.u32 s0, s1  }
0x5: {  	s12 =	simm.s32 $0x0;
	s8 =	simm.s32 $0x28000;
	s2 =	sshll.u32 s1, $0x7  }
0x6: {  	s13 =	simm.s32 $0x0;
	s9 =	simm.s32 $0x0;
	s3 =	ssub.s32 $0x5000, s2  }
0x7: {  	s11 =	simm.s32 $0x0;
	s1 =	rddreg [dreg:$0x1];
	s4 =	sand.u32 $0xF80, s3  }
.Ltmp0:
0x8: {  	_ =	strace $0x80000050;
	p0 =	sne.s32 s4, $0x0;
	(pc) =	sbr.rel .LBB1_1-.Ltmp0, $4  }
0x9: {  	s10 =	smov.u32 s2;
	s7 =	sshrl.u32 s3, $0xC;
	s5 =	simm.s32 @!p0 $0x0  }
0xa: {  	s3 =	sadd.s32 $0x4E1C00, s6;
	s4 =	simm.s32 $0x1;
	s5 =	sadd.s32 s5, s7  }
0xb: {  	s6 =	sadd.s32 $0x261C00, s6;
	[sflag:s4] =	ssyncpa.u1 $0x0;
	s5 =	sshll.u32 s5, $0x3  }
0xc: {  	p0 =	por $0x0, $0x0;
	[sflag:s31] =	ssyncpa.u1 $0x0;
	s7 =	sor.u32 $0x1, s5  }
.LBB1_4:
0xd: {  	s19 =	sshrl.u32 s12, $0x3  }
0xe: {  	s20 =	sshll.u32 s13, $0x3;
	s24 =	sshll.u32 s12, $0x7;
	s19 =	smul.u32 $0x28000, s19  }
0xf: {  	v5 =	vld [tilespmem:s17+$0xFFFFFFD0];
	[tilespmem:s16+$0x2040 ss:$0x81] =	vst.msk $0xffff, v4;
	s25 =	sand.u32 $0x7F, s13;
	s20 =	sand.u32 $0xFFFFFC00, s20;
	s12 =	sand.u32 $0x380, s24  }
0x10: {  	v58 =	vld [tilespmem:s17+$0xFFFFFFE0];
	[tilespmem:s16+$0x2850 ss:$0x81] =	vst.msk $0xffff, v2;
	s12 =	sor.u32 s25, s12;
	s19 =	sadd.s32 s20, s19  }
0x11: {  	s26 =	sshra.s32 s18, $0x2;
	v59 =	vld [tilespmem:s17+$0xFFFFFFF0];
	[tilespmem:s16+$0x3060 ss:$0x81] =	vst.msk $0xffff, v3;
	s12 =	sor.u32 s19, s12  }
0x12: {  	v60 =	vld [tilespmem:s17+$0x0];
	[tilespmem:s16+$0x0 ss:$0x81] =	vst.msk $0xffff, v0;
	s13 =	sadd.s32 s26, s15;
	s27 =	smulhi.u32 $0xCCCCCCCD, s12  }
0x13: {  	v61 =	vld [tilespmem:s17+$0x10];
	[tilespmem:s13+$0x3870 ss:$0x81] =	vst.msk $0xffff, v1  }
0x14: {  	v62 =	vld [tilespmem:s17+$0x20];
	s28 =	smulhi.u32 $0xCCCCCCCD, s19;
	[tilespmem:s13+$0x810 ss:$0x81] =	vst.msk $0xffff, v5;
	s15 =	sshrl.u32 s27, $0xE  }
0x15: {  	v63 =	vld [tilespmem:s17+$0xFFFFFFC0];
	[tilespmem:s13+$0x1020 ss:$0x81] =	vst.msk $0xffff, v58;
	s15 =	smul.u32 $0x5000, s15  }
0x16: {  	[tilespmem:s13+$0x1830 ss:$0x81] =	vst.msk $0xffff, v59;
	s16 =	sshrl.u32 s28, $0xE  }
0x17: {  	[tilespmem:s13+$0x2040 ss:$0x81] =	vst.msk $0xffff, v60;
	s29 =	sand.u32 $0x3FF, s16;
	s12 =	ssub.s32 s12, s15  }
0x18: {  	[tilespmem:s13+$0x2850 ss:$0x81] =	vst.msk $0xffff, v61;
	s15 =	smul.u32 $0xA00, s29;
	s30 =	sshrl.u32 s12, $0x3;
	s12 =	sand.u32 $0x7, s12  }
0x19: {  	[tilespmem:s13+$0x3060 ss:$0x81] =	vst.msk $0xffff, v62;
	s16 =	sadd.s32 s6, s30;
	s12 =	sshll.u32 s12, $0x12  }
0x1a: {  	[tilespmem:s13+$0x0 ss:$0x81] =	vst.msk $0xffff, v63;
	s31 =	sadd.s32 s15, s16;
	s12 =	sor.u32 $0x400, s12  }
0x1b: {  	[hbm4b:s31+s12] =	stream.strided.scatter [tilespmem:s14], [sflag:$0x2], $0x4000, s8, s12, $0x20;
	[tilespmem:$0x10100] =	vst v63  }
.LBB1_5:
0x1c: {  	s14 =	sadd.s32 $0x80, s9  }
0x1d: {  	s12 =	sadd.s32 $0x1000, s10;
	s16 =	smov.u32 s10;
	p2 =	sgt.s32 s14, $0x3FF  }
0x1e: {  	s16 =	smov.u32 @p2 s12  }
0x1f: {  	s14 =	simm.s32 @p2 $0x0;
	p2 =	sgt.s32 s16, $0x4FFF  }
0x20: {  	s16 =	smov.u32 @p2 s2;
	p2 =	sne.s32 s11, s7  }
.Ltmp1:
0x21: {  	p1 =	slt.u32 s11, $0x2;
	(pc) =	sbr.rel @!p2 .LBB1_6-.Ltmp1, $4  }
0x22: {  	s15 =	simm.s32 @!p1 $0x2  }
0x23: {  	s13 =	smov.u32 s10;
	p0 =	por !p0, !p0;
	_ =	swait.ge @!p1 [sflag:s15], $0x4000  }
0x24: {  	s12 =	smov.u32 s9;
	[sflag:s15] =	ssyncset.done @!p1 $0x0;
	s9 =	smov.u32 s14  }
0x25: {  	s11 =	sadd.s32 $0x1, s11;
	[sflag:s15] =	ssyncadd.s32 @!p1 $0xFFFFC000;
	s10 =	smov.u32 s16  }
.LBB1_1:
0x26: {  	p1 =	sge.u32 s11, s5  }
0x27: {  	s14 =	sshll.u32 @!p1 s10, $0xA  }
0x28: {  	s15 =	sshll.u32 @!p1 s9, $0x3;
	s14 =	sand.u32 @!p1 $0xFFFFE000, s14  }
0x29: {  	s14 =	sadd.s32 @!p1 s14, s15  }
0x2a: {  	s14 =	sshrl.u32 @!p1 s14, $0xA  }
0x2b: {  	s15 =	smulhi.u32 @!p1 $0xCCCCD, s14  }
0x2c: {  	s16 =	sxor.u32 @!p1 $0xFFFFFFFF, s11  }
0x2d: {  	s17 =	sshll.u32 @!p1 s10, $0x7;
	s18 =	sand.u32 @!p1 $0x78, s9;
	s15 =	sshrl.u32 @!p1 s15, $0x2  }
0x2e: {  	s16 =	sshll.u32 @!p1 s16, $0xE;
	s17 =	sand.u32 @!p1 $0x380, s17;
	s15 =	smul.u32 @!p1 $0x5000, s15  }
0x2f: {  	s31 =	sadd.s32 $0xFFFFFFFF, s11;
	s17 =	sor.u32 @!p1 s18, s17;
	s16 =	sand.u32 @!p1 $0x4000, s16  }
0x30: {  	s14 =	ssub.s32 @!p1 s14, s15;
	s15 =	sshrl.u32 @!p1 s17, $0x3;
	s17 =	sand.u32 @!p1 $0x7, s9  }
0x31: {  	s14 =	sshll.u32 @!p1 s14, $0x7;
	s15 =	sadd.s32 @!p1 s3, s15;
	s17 =	sshll.u32 @!p1 s17, $0x12  }
0x32: {  	s14 =	sadd.s32 @!p1 s14, s15;
	s15 =	sor.u32 @!p1 $0x400, s17;
	s17 =	simm.s32 @!p1 $0x2000  }
0x33: {  	[tilespmem:s16], [sflag:$0x1] =	stream.strided.gather @!p1 [hbm4b:s14+s15], $0x4000, s17, s15, $0x38;
	[tilespmem:$0x10100] =	vst v63  }
0x34: {  	p1 =	sge.u32 s31, s5  }
.Ltmp2:
0x35: {  	_ = 	snop;
	(pc) =	sbr.rel @p1 .LBB1_5-.Ltmp2, $1  }
0x36: {  	_ =	sdelay $0x3  }
0x37: {  	s14 =	simm.s32 $0x1  }
0x38: {  	_ =	swait.ge [sflag:s4], $0x4000;
	s14 =	simm.s32 @!p0 $0x0  }
0x39: {  	[sflag:s4] =	ssyncset.done $0x0;
	s15 =	sshll.u32 s14, $0xE  }
0x3a: {  	[sflag:s4] =	ssyncadd.s32 $0xFFFFC000;
	s17 =	sor.u32 $0x40, s15  }
0x3b: {  	s14 =	smul.u32 $0x10200, s14;
	v0 =	vld [tilespmem:s17+$0x30]  }
0x3c: {  	v1 =	vld [tilespmem:s17+$0xFFFFFFD0]  }
0x3d: {  	s14 =	sshrl.u32 s14, $0x2;
	v5 =	vld [tilespmem:s17+$0xFFFFFFE0]  }
0x3e: {  	v6 =	vld [tilespmem:s17+$0xFFFFFFF0];
	s15 =	sor.u32 $0x8000, s14  }
0x3f: {  	s31 =	sand.u32 $0x1, s11;
	v4 =	vld [tilespmem:s17+$0x0];
	s16 =	sadd.s32 $0x0, s15  }
0x40: {  	v2 =	vld [tilespmem:s17+$0x10];
	s14 =	smul.u32 $0x10200, s31;
	[tilespmem:s16+$0x3870 ss:$0x81] =	vst.msk $0xffff, v0  }
0x41: {  	v3 =	vld [tilespmem:s17+$0x20];
	[tilespmem:s16+$0x810 ss:$0x81] =	vst.msk $0xffff, v1  }
0x42: {  	s14 =	sshrl.u32 s14, $0x2;
	v0 =	vld [tilespmem:s17+$0xFFFFFFC0];
	[tilespmem:s16+$0x1020 ss:$0x81] =	vst.msk $0xffff, v5;
	s17 =	sadd.s32 $0x80, s17  }
0x43: {  	s18 =	simm.s32 $0x4;
	s19 =	simm.s32 $0x8;
	s14 =	sor.u32 $0x8000, s14;
	[tilespmem:s16+$0x1830 ss:$0x81] =	vst.msk $0xffff, v6;
	v1 =	vld [tilespmem:s17+$0x30]  }
.LBB1_3:
0x44: {  	p1 =	sne.s32 s19, $0x1FC;
	v5 =	vld [tilespmem:s17+$0xFFFFFFD0];
	[tilespmem:s16+$0x2040 ss:$0x81] =	vst.msk $0xffff, v4  }
0x45: {  	v6 =	vld [tilespmem:s17+$0xFFFFFFE0];
	[tilespmem:s16+$0x2850 ss:$0x81] =	vst.msk $0xffff, v2  }
0x46: {  	s20 =	sshra.s32 s18, $0x2;
	s18 =	smov.u32 s19;
	v7 =	vld [tilespmem:s17+$0xFFFFFFF0];
	[tilespmem:s16+$0x3060 ss:$0x81] =	vst.msk $0xffff, v3  }
.Ltmp3:
0x47: {  	v4 =	vld [tilespmem:s17+$0x0];
	[tilespmem:s16+$0x0 ss:$0x81] =	vst.msk $0xffff, v0;
	s16 =	sadd.s32 s20, s15;
	(pc) =	sbr.rel @p1 .LBB1_3-.Ltmp3, $4  }
0x48: {  	v2 =	vld [tilespmem:s17+$0x10];
	[tilespmem:s16+$0x3870 ss:$0x81] =	vst.msk $0xffff, v1  }
0x49: {  	[tilespmem:s16+$0x810 ss:$0x81] =	vst.msk $0xffff, v5;
	v3 =	vld [tilespmem:s17+$0x20]  }
0x4a: {  	v0 =	vld [tilespmem:s17+$0xFFFFFFC0];
	[tilespmem:s16+$0x1020 ss:$0x81] =	vst.msk $0xffff, v6;
	s17 =	sadd.s32 $0x80, s17  }
0x4b: {  	s19 =	sadd.s32 $0x4, s19;
	v1 =	vld [tilespmem:s17+$0x30];
	[tilespmem:s16+$0x1830 ss:$0x81] =	vst.msk $0xffff, v7  }
.Ltmp4:
0x4c: {  	_ = 	snop;
	(pc) =	sbr.rel .LBB1_4-.Ltmp4, $1  }
0x4d: {  	_ =	sdelay $0x3  }
.LBB1_6:
0x4e: {  	_ =	sfence.sel $0x180000  }
0x4f: {  	s2 =	simm.s32 $0x1;
	[bflag:$0x0] =	sbarrier.arrive $0xFFFF  }
0x50: {  	s31 =	simm.s32 $0x2;
	[sflag:s2] =	ssyncpa.u1 $0x1  }
0x51: {  	[sflag:s31] =	ssyncpa.u1 $0x1  }
0x52: {  	p0 =	sne.s32 s0, $0x0;
	_ =	strace $0x90000050  }
0x53: {  	s0 =	sadd.s32 @!p0 $0x100000, s1;
	[bflag:$0x2] =	sbarrier.arrive $0xFFFF  }
0x54: {  	[sflag:s0] =	ssyncadd.tile.s32 @!p0 $0x1;
	_ =	shalt  }
.Lfunc_end1:
_tile_overlayer_lowered:
.L_overlay_start_2:
0x55: {  	(tag) =	ssettag $0x2  }
0x56: {  	s0 =	rddreg [dreg:$0x0];
	s2 =	stileid.u32  }
0x57: {  	s1 =	rddreg [dreg:$0x1];
	p0 =	sne.s32 s2, $0x0  }
0x58: {  	s3 =	rddreg [dreg:$0x2];
	[bflag:$0x3] =	sbarrier.arrive $0xFFFF;
	s2 =	simm.s32 @!p0 $0x1C01  }
0x59: {  	[timem:s3], [sflag:s2] =	dma.local @!p0 [hbm:s0], s1  }
0x5a: {  	s0 =	simm.s32 @!p0 $0x1  }
0x5b: {  	_ =	swait.ge @!p0 [sflag:s0], s1  }
0x5c: {  	s1 =	ssub.s32 @!p0 $0x0, s1;
	[sflag:s0] =	ssyncset.done @!p0 $0x0  }
0x5d: {  	[sflag:s0] =	ssyncadd.s32 @!p0 s1  }
0x5e: {  	[bflag:$0x3] =	sbarrier.arrive $0xFFFF  }
0x5f: {  	_ =	shalt  }

// kernel: sparse-core-data-format-call.2.cloned.1.call-start
scs
called_computation.2_lowered:
.L_overlay_start_0:
0x0: {  	s1 =	sld [smem:$0x3FD9]  }
0x1: {  	s2 =	sld [smem:$0x3FFE];
	_ =	sdelay $0x1  }
0x2: {  	s3 =	srdreg.scid  }
0x3: {  	s0 =	sand.u32 $0x1, s3  }
0x4: {  	s17 =	sshll.u32 s0, $0xA;
	s1 =	sadd.s32 s2, s1  }
0x5: {  	s1 =	sadd.s32 s1, s17  }
0x6: {  	[smem:$0x3FC3] =	sst s1  }
0x7: {  	_ = 	snop  }
0x8: {  	(tm) =	ssettm $0x1  }
0x9: {  	s18 =	sld [smem:$0x3FFB];
	_ =	sdelay $0x3  }
0xa: {  	_ =	strace s18  }
0xb: {  	s1 =	sld [smem:$0x3FFC];
	_ =	sdelay $0x3  }
0xc: {  	_ =	strace s1  }
0xd: {  	s1 =	sld [smem:$0x3FFD];
	_ =	sdelay $0x3  }
0xe: {  	_ =	strace s1  }
0xf: {  	_ =	strace $0x8FFFFFFF  }
0x10: {  	s19 =	sld [smem:$0x3FDB];
	_ =	sdelay $0x1  }
0x11: {  	s20 =	simm.s32 $_scs_section_size  }
0x12: {  	s4 =	simm.s32 $_size__tile_overlayer_lowered;
	s5 =	simm.s32 $_tile_overlayer_lowered  }
0x13: {  	s23 =	simm.s32 $0x1BFF;
	s22 =	sshll.u32 s5, $0x1;
	s1 =	sadd.s32 s20, s19  }
0x14: {  	s6 =	simm.s32 $0x0;
	s21 =	sshll.u32 s4, $0x1;
	s4 =	sadd.s32 s22, s1  }
0x15: {  	[timem:s6], [sflag:s23] =	dma.local [hbm:s4], s21  }
0x16: {  	_ =	swait.ge [sflag:s23], s21  }
0x17: {  	s2 =	ssub.s32 $0x0, s21;
	[sflag:s23] =	ssyncset.done $0x0  }
0x18: {  	[sflag:s23] =	ssyncadd.s32 s2;
	_ =	sdelay $0x1  }
0x19: {  	s24 =	simm.s32 $0x1B8B  }
0x1a: {  	_ =	swait.ge [sflag:s24], $0x1  }
0x1b: {  	[sflag:s24] =	ssyncset.done $0x0  }
0x1c: {  	s26 =	simm.s32 $0x1B8E;
	s25 =	sld [smem:$0x3FFE];
	[sflag:s24] =	ssyncadd.s32 $0xFFFFFFFF  }
0x1d: {  	s27 =	simm.s32 $execute0_lowered;
	[smem:$0x3FD2] =	sst s26  }
0x1e: {  	s4 =	sshll.u32 s27, $0x1;
	_ =	strace $0x80000049;
	[dreg:$0x1] =	wrdreg $0xFFFFFFFF  }
0x1f: {  	s28 =	simm.s32 $_size_execute0_lowered;
	s1 =	sadd.s32 s1, s4;
	[dreg:$0x0] =	wrdreg $0x0  }
0x20: {  	s4 =	sshll.u32 s28, $0x1;
	[dreg:$0x2] =	wrdreg s1  }
0x21: {  	[dreg:$0x3] =	wrdreg s4  }
0x22: {  	[dreg:$0x4] =	wrdreg $0xC0  }
0x23: {  	_ =	task [dreg:s6], $0x5FFFF  }
0x24: {  	[dreg:$0x1] =	wrdreg $0xFFFFFFFF  }
0x25: {  	[dreg:$0x0] =	wrdreg $0x60  }
0x26: {  	[dreg:$0x2] =	wrdreg s25  }
0x27: {  	[dreg:$0x3] =	wrdreg $0x9  }
0x28: {  	_ =	task.clear_ibuf [dreg:s6], $0x4FFFF;
	_ =	strace $0x90000049  }
0x29: {  	s29 =	simm.s32 $0x9;
	_ =	strace $0x8000004B  }
0x2a: {  	_ =	swait.ge [sflag:s29], $0x1  }
0x2b: {  	[sflag:s29] =	ssyncadd.s32 $0xFFFFFFFF  }
0x2c: {  	_ =	strace $0x9000004B  }
0x2d: {  	_ =	sfence  }
0x2e: {  	s30 =	sld [smem:$0x0];
	_ =	sdelay $0x2  }
0x2f: {  	s31 =	sshll.u32 s3, $0xD;
	s3 =	sshrl.u32 s3, $0x2  }
0x30: {  	s2 =	sand.u32 $0x4000, s31;
	s1 =	sadd.s32 s3, s30  }
0x31: {  	s0 =	sor.u32 s2, s0;
	s1 =	sshll.u32 s1, $0x11  }
0x32: {  	s0 =	sor.u32 s1, s0  }
0x33: {  	s0 =	sadd.s32 $0x8F2B, s0  }
0x34: {  	[sflag:s0] =	ssyncadd.remote.s32 $0x1  }
0x35: {  	_ =	sfence.sel $0xFFFF  }
0x36: {  	[dreg:$0x0] =	wrdreg $0xFFFFFFFF;
	(pc) =	sbr.abs _section_cstart, $3  }
0x37: {  	[dreg:$0x1] =	wrdreg $0xFFFFFFFF  }
0x38: {  	_ =	task.clear_ibuf [dreg:s6], $0x2FFFF;
	_ =	strace $0x9FFFFFFF  }
0x39: {  	(tm) =	ssettm $0x7FFFFFFF  }
tec
execute0_lowered:
.L_overlay_start_1:
0x0: {  	(tag) =	ssettag $0x1  }
0x1: {  	s0 =	stileid.u32;
	s1 =	srdreg.scid  }
0x2: {  	s7 =	rddreg [dreg:$0x0];
	s31 =	simm.s32 $0x2;
	s14 =	simm.s32 $0x0  }
0x3: {  	s13 =	simm.s32 $0x0;
	s12 =	simm.s32 $0x0;
	s2 =	sshll.u32 s0, $0x7  }
0x4: {  	s3 =	sshll.u32 s0, $0x4;
	s1 =	sshll.u32 s1, $0x8;
	s2 =	sand.u32 $0x380, s2  }
0x5: {  	s3 =	sor.u32 s3, s1;
	s1 =	rddreg [dreg:$0x1];
	_ =	strace $0x8000004A  }
0x6: {  	s3 =	sand.u32 $0x180, s3;
	s4 =	ssub.s32 $0x400, s2;
	s11 =	smov.u32 s2  }
0x7: {  	s5 =	sand.u32 $0x380, s4;
	s6 =	ssub.s32 $0x2000, s3;
	s9 =	sshrl.u32 s4, $0xA  }
0x8: {  	p0 =	sne.s32 s5, $0x0;
	s5 =	simm.s32 $0x1;
	s8 =	sand.u32 $0x180, s6  }
0x9: {  	s5 =	simm.s32 @!p0 $0x0;
	p0 =	sne.s32 s8, $0x0;
	s8 =	simm.s32 $0x1  }
.Ltmp0:
0xa: {  	s6 =	sshrl.u32 s6, $0x9;
	s8 =	simm.s32 @!p0 $0x0;
	(pc) =	sbr.rel .LBB1_1-.Ltmp0, $4  }
0xb: {  	s4 =	simm.s32 $0x1;
	s5 =	sadd.s32 s5, s9;
	s6 =	sadd.s32 s8, s6  }
0xc: {  	s10 =	smov.u32 s3;
	[sflag:s4] =	ssyncpa.u1 $0x0;
	s5 =	smul.u32 s5, s6  }
0xd: {  	[sflag:s31] =	ssyncpa.u1 $0x0;
	p0 =	por $0x0, $0x0;
	s9 =	simm.s32 $0x2000  }
0xe: {  	s6 =	sadd.s32 $0x1200, s7;
	s7 =	sadd.s32 $0x101200, s7;
	s8 =	sadd.s32 $0x1, s5  }
.LBB1_4:
0xf: {  	v5 =	vld [tilespmem:s18+$0xFFFFFFD0];
	[tilespmem:s17+$0x2040 ss:$0x81] =	vst.msk $0xffff, v1  }
0x10: {  	v58 =	vld [tilespmem:s18+$0xFFFFFFE0];
	[tilespmem:s17+$0x2850 ss:$0x81] =	vst.msk $0xffff, v2  }
0x11: {  	s19 =	sshra.s32 s19, $0x2;
	v59 =	vld [tilespmem:s18+$0xFFFFFFF0];
	[tilespmem:s17+$0x3060 ss:$0x81] =	vst.msk $0xffff, v3  }
0x12: {  	v60 =	vld [tilespmem:s18+$0x0];
	[tilespmem:s17+$0x0 ss:$0x81] =	vst.msk $0xffff, v0;
	s16 =	sadd.s32 s19, s16  }
0x13: {  	v61 =	vld [tilespmem:s18+$0x10];
	[tilespmem:s16+$0x3870 ss:$0x81] =	vst.msk $0xffff, v4  }
0x14: {  	v62 =	vld [tilespmem:s18+$0x20];
	s26 =	sshll.u32 s14, $0xA;
	s27 =	sshll.u32 s13, $0x3;
	[tilespmem:s16+$0x810 ss:$0x81] =	vst.msk $0xffff, v5  }
0x15: {  	v63 =	vld [tilespmem:s18+$0xFFFFFFC0];
	s29 =	sshll.u32 s14, $0x7;
	s17 =	sand.u32 $0x7FE000, s26;
	s28 =	sand.u32 $0x7FFC00, s27;
	[tilespmem:s16+$0x1020 ss:$0x81] =	vst.msk $0xffff, v58  }
0x16: {  	s30 =	sand.u32 $0x78, s13;
	s14 =	sand.u32 $0x380, s29;
	s17 =	sadd.s32 s28, s17;
	[tilespmem:s16+$0x1830 ss:$0x81] =	vst.msk $0xffff, v59  }
0x17: {  	s14 =	sor.u32 s30, s14;
	s17 =	sand.u32 $0x7FFC00, s17;
	[tilespmem:s16+$0x2040 ss:$0x81] =	vst.msk $0xffff, v60  }
0x18: {  	s31 =	sand.u32 $0x7, s13;
	s14 =	sor.u32 s17, s14;
	[tilespmem:s16+$0x2850 ss:$0x81] =	vst.msk $0xffff, v61  }
0x19: {  	s13 =	sshll.u32 s31, $0x12;
	[tilespmem:s16+$0x3060 ss:$0x81] =	vst.msk $0xffff, v62;
	s14 =	sshrl.u32 s14, $0x3  }
0x1a: {  	s13 =	sor.u32 $0x400, s13;
	[tilespmem:s16+$0x0 ss:$0x81] =	vst.msk $0xffff, v63;
	s14 =	sadd.s32 s7, s14  }
0x1b: {  	[hbm4b:s14+s13] =	stream.strided.scatter [tilespmem:s15], [sflag:$0x2], $0x4000, s9, s13, $0x20;
	[tilespmem:$0x10100] =	vst v63  }
.LBB1_5:
0x1c: {  	s15 =	sadd.s32 $0x200, s10  }
0x1d: {  	s13 =	sadd.s32 $0x400, s11;
	s17 =	smov.u32 s11;
	p2 =	sgt.s32 s15, $0x1FFF  }
0x1e: {  	s17 =	smov.u32 @p2 s13  }
0x1f: {  	s15 =	smov.u32 @p2 s3;
	p2 =	sgt.s32 s17, $0x3FF  }
0x20: {  	s17 =	smov.u32 @p2 s2;
	p2 =	sne.s32 s12, s8  }
.Ltmp1:
0x21: {  	p1 =	slt.u32 s12, $0x2;
	(pc) =	sbr.rel @!p2 .LBB1_6-.Ltmp1, $4  }
0x22: {  	s16 =	simm.s32 @!p1 $0x2  }
0x23: {  	s14 =	smov.u32 s10;
	p0 =	por !p0, !p0;
	_ =	swait.ge @!p1 [sflag:s16], $0x4000  }
0x24: {  	s13 =	smov.u32 s11;
	[sflag:s16] =	ssyncset.done @!p1 $0x0;
	s10 =	smov.u32 s15  }
0x25: {  	s12 =	sadd.s32 $0x1, s12;
	[sflag:s16] =	ssyncadd.s32 @!p1 $0xFFFFC000;
	s11 =	smov.u32 s17  }
.LBB1_1:
0x26: {  	p1 =	sge.u32 s12, s5;
	s31 =	sadd.s32 $0xFFFFFFFF, s12  }
0x27: {  	s15 =	sand.u32 @!p1 $0x78, s10;
	s16 =	sshll.u32 @!p1 s11, $0xD;
	s17 =	sshll.u32 @!p1 s11, $0x7  }
0x28: {  	s18 =	sshll.u32 @!p1 s10, $0x3;
	s16 =	sand.u32 @!p1 $0x7F0000, s16;
	s17 =	sand.u32 @!p1 $0x380, s17  }
0x29: {  	s16 =	sadd.s32 @!p1 s16, s18;
	s18 =	sand.u32 @!p1 $0x1C00, s18;
	s15 =	sor.u32 @!p1 s17, s15  }
0x2a: {  	s17 =	sxor.u32 @!p1 $0xFFFFFFFF, s12;
	s16 =	sand.u32 @!p1 $0x7FE000, s16;
	s15 =	sor.u32 @!p1 s18, s15  }
0x2b: {  	s17 =	sshll.u32 @!p1 s17, $0xE;
	s15 =	sor.u32 @!p1 s16, s15;
	s16 =	sand.u32 @!p1 $0x7, s10  }
0x2c: {  	s18 =	simm.s32 @!p1 $0x10000;
	s15 =	sshrl.u32 @!p1 s15, $0x3;
	s16 =	sshll.u32 @!p1 s16, $0x12  }
0x2d: {  	s17 =	sand.u32 @!p1 $0x4000, s17;
	s15 =	sadd.s32 @!p1 s6, s15;
	s16 =	sor.u32 @!p1 $0x400, s16  }
0x2e: {  	[tilespmem:s17], [sflag:$0x1] =	stream.strided.gather @!p1 [hbm4b:s15+s16], $0x4000, s18, s16, $0x38;
	[tilespmem:$0x10100] =	vst v63  }
0x2f: {  	p1 =	sge.u32 s31, s5  }
.Ltmp2:
0x30: {  	_ = 	snop;
	(pc) =	sbr.rel @p1 .LBB1_5-.Ltmp2, $1  }
0x31: {  	_ =	sdelay $0x3  }
0x32: {  	s15 =	simm.s32 $0x1  }
0x33: {  	_ =	swait.ge [sflag:s4], $0x4000;
	s15 =	simm.s32 @!p0 $0x0  }
0x34: {  	[sflag:s4] =	ssyncset.done $0x0;
	s16 =	sshll.u32 s15, $0xE  }
0x35: {  	[sflag:s4] =	ssyncadd.s32 $0xFFFFC000;
	s18 =	sor.u32 $0x40, s16  }
0x36: {  	s15 =	smul.u32 $0x10200, s15;
	v0 =	vld [tilespmem:s18+$0x30]  }
0x37: {  	v3 =	vld [tilespmem:s18+$0xFFFFFFD0]  }
0x38: {  	s15 =	sshrl.u32 s15, $0x2;
	v4 =	vld [tilespmem:s18+$0xFFFFFFE0]  }
0x39: {  	v5 =	vld [tilespmem:s18+$0xFFFFFFF0];
	s16 =	sor.u32 $0x8000, s15  }
0x3a: {  	s31 =	sand.u32 $0x1, s12;
	v1 =	vld [tilespmem:s18+$0x0];
	s17 =	sadd.s32 $0x0, s16  }
0x3b: {  	v2 =	vld [tilespmem:s18+$0x10];
	s15 =	smul.u32 $0x10200, s31;
	[tilespmem:s17+$0x3870 ss:$0x81] =	vst.msk $0xffff, v0  }
0x3c: {  	[tilespmem:s17+$0x810 ss:$0x81] =	vst.msk $0xffff, v3;
	v3 =	vld [tilespmem:s18+$0x20]  }
0x3d: {  	s15 =	sshrl.u32 s15, $0x2;
	v0 =	vld [tilespmem:s18+$0xFFFFFFC0];
	[tilespmem:s17+$0x1020 ss:$0x81] =	vst.msk $0xffff, v4;
	s18 =	sadd.s32 $0x80, s18  }
0x3e: {  	s19 =	simm.s32 $0x4;
	s20 =	simm.s32 $0x8;
	s15 =	sor.u32 $0x8000, s15;
	[tilespmem:s17+$0x1830 ss:$0x81] =	vst.msk $0xffff, v5;
	v4 =	vld [tilespmem:s18+$0x30]  }
.LBB1_3:
0x3f: {  	p1 =	sne.s32 s20, $0x1FC;
	v5 =	vld [tilespmem:s18+$0xFFFFFFD0];
	[tilespmem:s17+$0x2040 ss:$0x81] =	vst.msk $0xffff, v1  }
0x40: {  	v6 =	vld [tilespmem:s18+$0xFFFFFFE0];
	[tilespmem:s17+$0x2850 ss:$0x81] =	vst.msk $0xffff, v2  }
0x41: {  	s21 =	sshra.s32 s19, $0x2;
	s19 =	smov.u32 s20;
	v7 =	vld [tilespmem:s18+$0xFFFFFFF0];
	[tilespmem:s17+$0x3060 ss:$0x81] =	vst.msk $0xffff, v3  }
.Ltmp3:
0x42: {  	v1 =	vld [tilespmem:s18+$0x0];
	[tilespmem:s17+$0x0 ss:$0x81] =	vst.msk $0xffff, v0;
	s17 =	sadd.s32 s21, s16;
	(pc) =	sbr.rel @p1 .LBB1_3-.Ltmp3, $4  }
0x43: {  	v2 =	vld [tilespmem:s18+$0x10];
	[tilespmem:s17+$0x3870 ss:$0x81] =	vst.msk $0xffff, v4  }
0x44: {  	[tilespmem:s17+$0x810 ss:$0x81] =	vst.msk $0xffff, v5;
	v3 =	vld [tilespmem:s18+$0x20]  }
0x45: {  	v0 =	vld [tilespmem:s18+$0xFFFFFFC0];
	[tilespmem:s17+$0x1020 ss:$0x81] =	vst.msk $0xffff, v6;
	s18 =	sadd.s32 $0x80, s18  }
0x46: {  	s20 =	sadd.s32 $0x4, s20;
	v4 =	vld [tilespmem:s18+$0x30];
	[tilespmem:s17+$0x1830 ss:$0x81] =	vst.msk $0xffff, v7  }
.Ltmp4:
0x47: {  	_ = 	snop;
	(pc) =	sbr.rel .LBB1_4-.Ltmp4, $1  }
0x48: {  	_ =	sdelay $0x3  }
.LBB1_6:
0x49: {  	_ =	sfence.sel $0x180000  }
0x4a: {  	s2 =	simm.s32 $0x1;
	[bflag:$0x0] =	sbarrier.arrive $0xFFFF  }
0x4b: {  	s31 =	simm.s32 $0x2;
	[sflag:s2] =	ssyncpa.u1 $0x1  }
0x4c: {  	[sflag:s31] =	ssyncpa.u1 $0x1  }
0x4d: {  	p0 =	sne.s32 s0, $0x0;
	_ =	strace $0x9000004A  }
0x4e: {  	s0 =	sadd.s32 @!p0 $0x100000, s1;
	[bflag:$0x2] =	sbarrier.arrive $0xFFFF  }
0x4f: {  	[sflag:s0] =	ssyncadd.tile.s32 @!p0 $0x1;
	_ =	shalt  }
.Lfunc_end1:
_tile_overlayer_lowered:
.L_overlay_start_2:
0x50: {  	(tag) =	ssettag $0x2  }
0x51: {  	s0 =	rddreg [dreg:$0x0];
	s2 =	stileid.u32  }
0x52: {  	s1 =	rddreg [dreg:$0x1];
	p0 =	sne.s32 s2, $0x0  }
0x53: {  	s3 =	rddreg [dreg:$0x2];
	[bflag:$0x3] =	sbarrier.arrive $0xFFFF;
	s2 =	simm.s32 @!p0 $0x1C01  }
0x54: {  	[timem:s3], [sflag:s2] =	dma.local @!p0 [hbm:s0], s1  }
0x55: {  	s0 =	simm.s32 @!p0 $0x1  }
0x56: {  	_ =	swait.ge @!p0 [sflag:s0], s1  }
0x57: {  	s1 =	ssub.s32 @!p0 $0x0, s1;
	[sflag:s0] =	ssyncset.done @!p0 $0x0  }
0x58: {  	[sflag:s0] =	ssyncadd.s32 @!p0 s1  }
0x59: {  	[bflag:$0x3] =	sbarrier.arrive $0xFFFF  }
0x5a: {  	_ =	shalt  }

// kernel: sparse-core-data-format-call.3.cloned.1.call-start
scs
called_computation.3_lowered:
.L_overlay_start_0:
0x0: {  	s2 =	sld [smem:$0x3FD9]  }
0x1: {  	s3 =	sld [smem:$0x3FFE];
	_ =	sdelay $0x1  }
0x2: {  	s1 =	srdreg.scid  }
0x3: {  	s0 =	sand.u32 $0x1, s1  }
0x4: {  	s15 =	sshll.u32 s0, $0xA;
	s2 =	sadd.s32 s3, s2  }
0x5: {  	s2 =	sadd.s32 s2, s15  }
0x6: {  	[smem:$0x3FC3] =	sst s2  }
0x7: {  	_ = 	snop  }
0x8: {  	s2 =	sld [smem:$0x3FD0];
	_ =	sdelay $0x2  }
0x9: {  	s16 =	simm.s32 $0xA;
	s4 =	simm.s32 $0x10  }
0xa: {  	[smem:s4], [sflag:s16] =	dma.local [hbm:s2], $0x1  }
0xb: {  	_ =	swait.eq [sflag:s16], $0x1  }
0xc: {  	[sflag:s16] =	ssyncset.done $0x0  }
0xd: {  	[sflag:s16] =	ssyncadd.s32 $0xFFFFFFFF  }
0xe: {  	s17 =	sld [smem:$0x10];
	(tm) =	ssettm $0x1  }
0xf: {  	s18 =	sld [smem:$0x3FFB];
	_ =	sdelay $0x3  }
0x10: {  	_ =	strace s18  }
0x11: {  	s3 =	sld [smem:$0x3FFC];
	_ =	sdelay $0x3  }
0x12: {  	_ =	strace s3  }
0x13: {  	s3 =	sld [smem:$0x3FFD];
	_ =	sdelay $0x3  }
0x14: {  	_ =	strace s3  }
0x15: {  	_ =	strace $0x8FFFFFFF  }
0x16: {  	s19 =	sld [smem:$0x3FDB];
	_ =	sdelay $0x1  }
0x17: {  	s20 =	simm.s32 $_scs_section_size  }
0x18: {  	s5 =	simm.s32 $_size__tile_overlayer_lowered;
	s6 =	simm.s32 $_tile_overlayer_lowered  }
0x19: {  	s23 =	simm.s32 $0x1BFF;
	s22 =	sshll.u32 s6, $0x1;
	s3 =	sadd.s32 s20, s19  }
0x1a: {  	s7 =	simm.s32 $0x0;
	s21 =	sshll.u32 s5, $0x1;
	s5 =	sadd.s32 s22, s3  }
0x1b: {  	[timem:s7], [sflag:s23] =	dma.local [hbm:s5], s21  }
0x1c: {  	_ =	swait.ge [sflag:s23], s21  }
0x1d: {  	s4 =	ssub.s32 $0x0, s21;
	[sflag:s23] =	ssyncset.done $0x0  }
0x1e: {  	[sflag:s23] =	ssyncadd.s32 s4;
	_ =	sdelay $0x1  }
0x1f: {  	s24 =	simm.s32 $0x1B8B  }
0x20: {  	_ =	swait.ge [sflag:s24], $0x1  }
0x21: {  	[sflag:s24] =	ssyncset.done $0x0  }
0x22: {  	s26 =	simm.s32 $0x1B8E;
	s25 =	sld [smem:$0x3FFE];
	[sflag:s24] =	ssyncadd.s32 $0xFFFFFFFF  }
0x23: {  	s27 =	simm.s32 $execute0_lowered;
	[smem:$0x3FD2] =	sst s26  }
0x24: {  	s5 =	sshll.u32 s27, $0x1;
	_ =	strace $0x80000046;
	[dreg:$0x1] =	wrdreg $0xFFFFFFFF  }
0x25: {  	s28 =	simm.s32 $_size_execute0_lowered;
	s3 =	sadd.s32 s3, s5;
	[dreg:$0x0] =	wrdreg $0x0  }
0x26: {  	s5 =	sshll.u32 s28, $0x1;
	[dreg:$0x2] =	wrdreg s3  }
0x27: {  	[dreg:$0x3] =	wrdreg s5  }
0x28: {  	[dreg:$0x4] =	wrdreg $0xC0  }
0x29: {  	_ =	task [dreg:s7], $0x5FFFF  }
0x2a: {  	[dreg:$0x1] =	wrdreg $0xFFFFFFFF  }
0x2b: {  	[dreg:$0x0] =	wrdreg $0x60  }
0x2c: {  	[dreg:$0x2] =	wrdreg s17  }
0x2d: {  	[dreg:$0x3] =	wrdreg s25  }
0x2e: {  	[dreg:$0x4] =	wrdreg $0x9  }
0x2f: {  	_ =	task.clear_ibuf [dreg:s7], $0x5FFFF;
	_ =	strace $0x90000046  }
0x30: {  	s29 =	simm.s32 $0x9;
	_ =	strace $0x80000048  }
0x31: {  	_ =	swait.ge [sflag:s29], $0x1  }
0x32: {  	[sflag:s29] =	ssyncadd.s32 $0xFFFFFFFF  }
0x33: {  	_ =	strace $0x90000048  }
0x34: {  	_ =	sfence  }
0x35: {  	s30 =	sld [smem:$0x0];
	_ =	sdelay $0x2  }
0x36: {  	s31 =	sshll.u32 s1, $0xD;
	s1 =	sshrl.u32 s1, $0x2  }
0x37: {  	s3 =	sand.u32 $0x4000, s31;
	s1 =	sadd.s32 s1, s30  }
0x38: {  	s0 =	sor.u32 s3, s0;
	s1 =	sshll.u32 s1, $0x11  }
0x39: {  	s0 =	sor.u32 s1, s0  }
0x3a: {  	s0 =	sadd.s32 $0x8F2B, s0  }
0x3b: {  	[sflag:s0] =	ssyncadd.remote.s32 $0x1  }
0x3c: {  	_ =	sfence.sel $0xFFFF  }
0x3d: {  	[dreg:$0x0] =	wrdreg $0xFFFFFFFF;
	(pc) =	sbr.abs _section_cstart, $3  }
0x3e: {  	[dreg:$0x1] =	wrdreg $0xFFFFFFFF  }
0x3f: {  	_ =	task.clear_ibuf [dreg:s7], $0x2FFFF;
	_ =	strace $0x9FFFFFFF  }
0x40: {  	(tm) =	ssettm $0x7FFFFFFF  }
0x41: {  	_ =	shalt  }
tec
execute0_lowered:
.L_overlay_start_1:
0x0: {  	(tag) =	ssettag $0x1  }
0x1: {  	s0 =	stileid.u32;
	s1 =	srdreg.scid  }
0x2: {  	s4 =	rddreg [dreg:$0x1];
	s7 =	simm.s32 $0x1;
	s31 =	simm.s32 $0x2  }
0x3: {  	s15 =	simm.s32 $0x0;
	s2 =	sshll.u32 s0, $0x5;
	s1 =	sshll.u32 s1, $0x9  }
0x4: {  	s9 =	simm.s32 $0x2000;
	s14 =	simm.s32 $0x0;
	s1 =	sor.u32 s2, s1  }
0x5: {  	s16 =	simm.s32 $0x0;
	s10 =	simm.s32 $0x0;
	s3 =	sand.u32 $0x380, s1  }
0x6: {  	s13 =	simm.s32 $0x0;
	s2 =	rddreg [dreg:$0x0];
	s5 =	ssub.s32 $0x800, s3  }
0x7: {  	s4 =	sadd.s32 $0x1200, s4;
	s1 =	rddreg [dreg:$0x2];
	s6 =	sand.u32 $0x380, s5  }
.Ltmp0:
0x8: {  	_ =	strace $0x80000047;
	p0 =	sne.s32 s6, $0x0;
	(pc) =	sbr.rel .LBB1_1-.Ltmp0, $4  }
0x9: {  	s11 =	smov.u32 s3;
	s8 =	sshrl.u32 s5, $0xA;
	s7 =	simm.s32 @!p0 $0x0  }
0xa: {  	s5 =	sand.u32 $0x3, s0;
	s6 =	simm.s32 $0x1;
	s7 =	sadd.s32 s7, s8  }
0xb: {  	s12 =	smov.u32 s5;
	[sflag:s6] =	ssyncpa.u1 $0x0;
	s7 =	sshll.u32 s7, $0x4  }
0xc: {  	p0 =	por $0x0, $0x0;
	[sflag:s31] =	ssyncpa.u1 $0x0;
	s8 =	sor.u32 $0x1, s7  }
.LBB1_4:
0xd: {  	v5 =	vld [tilespmem:s20+$0xFFFFFFD0];
	[tilespmem:s19+$0x2040 ss:$0x81] =	vst.msk $0xffff, v1  }
0xe: {  	v58 =	vld [tilespmem:s20+$0xFFFFFFE0];
	[tilespmem:s19+$0x2850 ss:$0x81] =	vst.msk $0xffff, v2  }
0xf: {  	s21 =	sshra.s32 s21, $0x2;
	v59 =	vld [tilespmem:s20+$0xFFFFFFF0];
	[tilespmem:s19+$0x3060 ss:$0x81] =	vst.msk $0xffff, v3  }
0x10: {  	v60 =	vld [tilespmem:s20+$0x0];
	[tilespmem:s19+$0x0 ss:$0x81] =	vst.msk $0xffff, v0;
	s18 =	sadd.s32 s21, s18  }
0x11: {  	v61 =	vld [tilespmem:s20+$0x10];
	[tilespmem:s18+$0x3870 ss:$0x81] =	vst.msk $0xffff, v4  }
0x12: {  	v62 =	vld [tilespmem:s20+$0x20];
	[tilespmem:s18+$0x810 ss:$0x81] =	vst.msk $0xffff, v5  }
0x13: {  	s16 =	sshll.u32 s16, $0x7;
	v63 =	vld [tilespmem:s20+$0xFFFFFFC0];
	s28 =	sand.u32 $0x78, s14;
	s29 =	sshll.u32 s14, $0x2;
	[tilespmem:s18+$0x1020 ss:$0x81] =	vst.msk $0xffff, v58  }
0x14: {  	s15 =	sshll.u32 s15, $0xA;
	s30 =	sshrl.u32 s14, $0x1;
	s16 =	sand.u32 $0x180, s16;
	[tilespmem:s18+$0x1830 ss:$0x81] =	vst.msk $0xffff, v59  }
0x15: {  	s31 =	sand.u32 $0x7, s14;
	s20 =	sand.u32 $0x600, s29;
	s16 =	sor.u32 s16, s28;
	[tilespmem:s18+$0x2040 ss:$0x81] =	vst.msk $0xffff, v60  }
0x16: {  	s19 =	sand.u32 $0x300, s30;
	s15 =	sadd.s32 s4, s15;
	s16 =	sor.u32 s20, s16;
	[tilespmem:s18+$0x2850 ss:$0x81] =	vst.msk $0xffff, v61  }
0x17: {  	s14 =	sshll.u32 s31, $0x12;
	s15 =	sadd.s32 s19, s15;
	s16 =	sshrl.u32 s16, $0x3;
	[tilespmem:s18+$0x3060 ss:$0x81] =	vst.msk $0xffff, v62  }
0x18: {  	s14 =	sor.u32 $0x80, s14;
	[tilespmem:s18+$0x0 ss:$0x81] =	vst.msk $0xffff, v63;
	s15 =	sadd.s32 s16, s15  }
0x19: {  	[hbm4b:s15+s14] =	stream.strided.scatter [tilespmem:s17], [sflag:$0x2], $0x4000, s9, s14, $0x20;
	[tilespmem:$0x10100] =	vst v63  }
.LBB1_5:
0x1a: {  	s17 =	sadd.s32 $0x80, s10  }
0x1b: {  	s14 =	sadd.s32 $0x400, s11;
	s18 =	smov.u32 s11;
	p2 =	sgt.s32 s17, $0x7FF  }
0x1c: {  	s18 =	smov.u32 @p2 s14  }
0x1d: {  	s20 =	smov.u32 s12;
	s14 =	sadd.s32 $0x4, s12;
	p3 =	sgt.s32 s18, $0x7FF  }
0x1e: {  	s20 =	smov.u32 @p3 s14  }
0x1f: {  	s17 =	simm.s32 @p2 $0x0;
	p2 =	sgt.s32 s20, $0x3  }
0x20: {  	p1 =	slt.u32 s13, $0x2;
	s20 =	smov.u32 @p2 s5;
	p2 =	sne.s32 s13, s8  }
.Ltmp1:
0x21: {  	s19 =	simm.s32 @!p1 $0x2;
	(pc) =	sbr.rel @!p2 .LBB1_6-.Ltmp1, $4  }
0x22: {  	s15 =	smov.u32 s10;
	s16 =	smov.u32 s12;
	_ =	swait.ge @!p1 [sflag:s19], $0x4000  }
0x23: {  	p0 =	por !p0, !p0;
	[sflag:s19] =	ssyncset.done @!p1 $0x0;
	s10 =	smov.u32 s17  }
0x24: {  	s18 =	smov.u32 @p3 s3;
	s14 =	smov.u32 s11;
	[sflag:s19] =	ssyncadd.s32 @!p1 $0xFFFFC000  }
0x25: {  	s11 =	smov.u32 s18;
	s13 =	sadd.s32 $0x1, s13;
	s12 =	smov.u32 s20  }
.LBB1_1:
0x26: {  	p1 =	sge.u32 s13, s7;
	s31 =	sadd.s32 $0xFFFFFFFF, s13  }
0x27: {  	s17 =	sxor.u32 @!p1 $0xFFFFFFFF, s13;
	s18 =	sand.u32 @!p1 $0x78, s10;
	s19 =	sshll.u32 @!p1 s11, $0xB  }
0x28: {  	s20 =	sshll.u32 @!p1 s11, $0x7;
	s21 =	sshll.u32 @!p1 s10, $0x3;
	s17 =	sshll.u32 @!p1 s17, $0xE  }
0x29: {  	s19 =	sand.u32 @!p1 $0x3FC000, s19;
	s20 =	sand.u32 @!p1 $0x380, s20;
	s17 =	sand.u32 @!p1 $0x4000, s17  }
0x2a: {  	s19 =	sadd.s32 @!p1 s19, s21;
	s21 =	sand.u32 @!p1 $0x400, s21;
	s18 =	sor.u32 @!p1 s20, s18  }
0x2b: {  	s20 =	sshll.u32 @!p1 s12, $0x13;
	s18 =	sor.u32 @!p1 s21, s18;
	s19 =	sshrl.u32 @!p1 s19, $0x3  }
0x2c: {  	s20 =	sadd.s32 @!p1 s2, s20;
	s21 =	sand.u32 @!p1 $0x7, s10;
	s19 =	sand.u32 @!p1 $0x7FF00, s19  }
0x2d: {  	s18 =	sshrl.u32 @!p1 s18, $0x3;
	s19 =	sadd.s32 @!p1 s19, s20;
	s20 =	sshll.u32 @!p1 s21, $0x12  }
0x2e: {  	s18 =	sadd.s32 @!p1 s18, s19;
	s19 =	sor.u32 @!p1 $0x400, s20;
	s20 =	simm.s32 @!p1 $0x4000  }
0x2f: {  	[tilespmem:s17], [sflag:$0x1] =	stream.strided.gather @!p1 [hbm4b:s18+s19], $0x4000, s20, s19, $0x38;
	[tilespmem:$0x10100] =	vst v63  }
0x30: {  	p1 =	sge.u32 s31, s7  }
.Ltmp2:
0x31: {  	_ = 	snop;
	(pc) =	sbr.rel @p1 .LBB1_5-.Ltmp2, $1  }
0x32: {  	_ =	sdelay $0x3  }
0x33: {  	s17 =	simm.s32 $0x1  }
0x34: {  	_ =	swait.ge [sflag:s6], $0x4000;
	s17 =	simm.s32 @!p0 $0x0  }
0x35: {  	[sflag:s6] =	ssyncset.done $0x0;
	s18 =	sshll.u32 s17, $0xE  }
0x36: {  	[sflag:s6] =	ssyncadd.s32 $0xFFFFC000;
	s20 =	sor.u32 $0x40, s18  }
0x37: {  	s17 =	smul.u32 $0x10200, s17;
	v0 =	vld [tilespmem:s20+$0x30]  }
0x38: {  	v3 =	vld [tilespmem:s20+$0xFFFFFFD0]  }
0x39: {  	s17 =	sshrl.u32 s17, $0x2;
	v4 =	vld [tilespmem:s20+$0xFFFFFFE0]  }
0x3a: {  	v5 =	vld [tilespmem:s20+$0xFFFFFFF0];
	s18 =	sor.u32 $0x8000, s17  }
0x3b: {  	s31 =	sand.u32 $0x1, s13;
	v1 =	vld [tilespmem:s20+$0x0];
	s19 =	sadd.s32 $0x0, s18  }
0x3c: {  	v2 =	vld [tilespmem:s20+$0x10];
	s17 =	smul.u32 $0x10200, s31;
	[tilespmem:s19+$0x3870 ss:$0x81] =	vst.msk $0xffff, v0  }
0x3d: {  	[tilespmem:s19+$0x810 ss:$0x81] =	vst.msk $0xffff, v3;
	v3 =	vld [tilespmem:s20+$0x20]  }
0x3e: {  	s17 =	sshrl.u32 s17, $0x2;
	v0 =	vld [tilespmem:s20+$0xFFFFFFC0];
	[tilespmem:s19+$0x1020 ss:$0x81] =	vst.msk $0xffff, v4;
	s20 =	sadd.s32 $0x80, s20  }
0x3f: {  	s21 =	simm.s32 $0x4;
	s22 =	simm.s32 $0x8;
	s17 =	sor.u32 $0x8000, s17;
	[tilespmem:s19+$0x1830 ss:$0x81] =	vst.msk $0xffff, v5;
	v4 =	vld [tilespmem:s20+$0x30]  }
.LBB1_3:
0x40: {  	p1 =	sne.s32 s22, $0x1FC;
	v5 =	vld [tilespmem:s20+$0xFFFFFFD0];
	[tilespmem:s19+$0x2040 ss:$0x81] =	vst.msk $0xffff, v1  }
0x41: {  	v6 =	vld [tilespmem:s20+$0xFFFFFFE0];
	[tilespmem:s19+$0x2850 ss:$0x81] =	vst.msk $0xffff, v2  }
0x42: {  	s23 =	sshra.s32 s21, $0x2;
	s21 =	smov.u32 s22;
	v7 =	vld [tilespmem:s20+$0xFFFFFFF0];
	[tilespmem:s19+$0x3060 ss:$0x81] =	vst.msk $0xffff, v3  }
.Ltmp3:
0x43: {  	v1 =	vld [tilespmem:s20+$0x0];
	[tilespmem:s19+$0x0 ss:$0x81] =	vst.msk $0xffff, v0;
	s19 =	sadd.s32 s23, s18;
	(pc) =	sbr.rel @p1 .LBB1_3-.Ltmp3, $4  }
0x44: {  	v2 =	vld [tilespmem:s20+$0x10];
	[tilespmem:s19+$0x3870 ss:$0x81] =	vst.msk $0xffff, v4  }
0x45: {  	[tilespmem:s19+$0x810 ss:$0x81] =	vst.msk $0xffff, v5;
	v3 =	vld [tilespmem:s20+$0x20]  }
0x46: {  	v0 =	vld [tilespmem:s20+$0xFFFFFFC0];
	[tilespmem:s19+$0x1020 ss:$0x81] =	vst.msk $0xffff, v6;
	s20 =	sadd.s32 $0x80, s20  }
0x47: {  	s22 =	sadd.s32 $0x4, s22;
	v4 =	vld [tilespmem:s20+$0x30];
	[tilespmem:s19+$0x1830 ss:$0x81] =	vst.msk $0xffff, v7  }
.Ltmp4:
0x48: {  	_ = 	snop;
	(pc) =	sbr.rel .LBB1_4-.Ltmp4, $1  }
0x49: {  	_ =	sdelay $0x3  }
.LBB1_6:
0x4a: {  	_ =	sfence.sel $0x180000  }
0x4b: {  	s2 =	simm.s32 $0x1;
	[bflag:$0x0] =	sbarrier.arrive $0xFFFF  }
0x4c: {  	s31 =	simm.s32 $0x2;
	[sflag:s2] =	ssyncpa.u1 $0x1  }
0x4d: {  	[sflag:s31] =	ssyncpa.u1 $0x1  }
0x4e: {  	p0 =	sne.s32 s0, $0x0;
	_ =	strace $0x90000047  }
0x4f: {  	s0 =	sadd.s32 @!p0 $0x100000, s1;
	[bflag:$0x2] =	sbarrier.arrive $0xFFFF  }
0x50: {  	[sflag:s0] =	ssyncadd.tile.s32 @!p0 $0x1;
	_ =	shalt  }
.Lfunc_end1:
_tile_overlayer_lowered:
.L_overlay_start_2:
0x51: {  	(tag) =	ssettag $0x2  }
0x52: {  	s0 =	rddreg [dreg:$0x0];
	s2 =	stileid.u32  }
0x53: {  	s1 =	rddreg [dreg:$0x1];
	p0 =	sne.s32 s2, $0x0  }
0x54: {  	s3 =	rddreg [dreg:$0x2];
	[bflag:$0x3] =	sbarrier.arrive $0xFFFF;
	s2 =	simm.s32 @!p0 $0x1C01  }
0x55: {  	[timem:s3], [sflag:s2] =	dma.local @!p0 [hbm:s0], s1  }
0x56: {  	s0 =	simm.s32 @!p0 $0x1  }
0x57: {  	_ =	swait.ge @!p0 [sflag:s0], s1  }
0x58: {  	s1 =	ssub.s32 @!p0 $0x0, s1;
	[sflag:s0] =	ssyncset.done @!p0 $0x0  }
0x59: {  	[sflag:s0] =	ssyncadd.s32 @!p0 s1  }
0x5a: {  	[bflag:$0x3] =	sbarrier.arrive $0xFFFF  }
0x5b: {  	_ =	shalt  }

// kernel: sparse-core-data-format-call.cloned.1.call-start
scs
called_computation_lowered:
.L_overlay_start_0:
0x0: {  	s1 =	sld [smem:$0x3FD9]  }
0x1: {  	s2 =	sld [smem:$0x3FFE];
	_ =	sdelay $0x1  }
0x2: {  	s3 =	srdreg.scid  }
0x3: {  	s0 =	sand.u32 $0x1, s3  }
0x4: {  	s17 =	sshll.u32 s0, $0xA;
	s1 =	sadd.s32 s2, s1  }
0x5: {  	s1 =	sadd.s32 s1, s17  }
0x6: {  	[smem:$0x3FC3] =	sst s1  }
0x7: {  	_ = 	snop  }
0x8: {  	(tm) =	ssettm $0x1  }
0x9: {  	s18 =	sld [smem:$0x3FFB];
	_ =	sdelay $0x3  }
0xa: {  	_ =	strace s18  }
0xb: {  	s1 =	sld [smem:$0x3FFC];
	_ =	sdelay $0x3  }
0xc: {  	_ =	strace s1  }
0xd: {  	s1 =	sld [smem:$0x3FFD];
	_ =	sdelay $0x3  }
0xe: {  	_ =	strace s1  }
0xf: {  	_ =	strace $0x8FFFFFFF  }
0x10: {  	s19 =	sld [smem:$0x3FDB];
	_ =	sdelay $0x1  }
0x11: {  	s20 =	simm.s32 $_scs_section_size  }
0x12: {  	s4 =	simm.s32 $_size__tile_overlayer_lowered;
	s5 =	simm.s32 $_tile_overlayer_lowered  }
0x13: {  	s23 =	simm.s32 $0x1BFF;
	s22 =	sshll.u32 s5, $0x1;
	s1 =	sadd.s32 s20, s19  }
0x14: {  	s6 =	simm.s32 $0x0;
	s21 =	sshll.u32 s4, $0x1;
	s4 =	sadd.s32 s22, s1  }
0x15: {  	[timem:s6], [sflag:s23] =	dma.local [hbm:s4], s21  }
0x16: {  	_ =	swait.ge [sflag:s23], s21  }
0x17: {  	s2 =	ssub.s32 $0x0, s21;
	[sflag:s23] =	ssyncset.done $0x0  }
0x18: {  	[sflag:s23] =	ssyncadd.s32 s2;
	_ =	sdelay $0x1  }
0x19: {  	s24 =	simm.s32 $0x1B8B  }
0x1a: {  	_ =	swait.ge [sflag:s24], $0x1  }
0x1b: {  	[sflag:s24] =	ssyncset.done $0x0  }
0x1c: {  	s26 =	simm.s32 $0x1B8E;
	s25 =	sld [smem:$0x3FFE];
	[sflag:s24] =	ssyncadd.s32 $0xFFFFFFFF  }
0x1d: {  	s27 =	simm.s32 $execute0_lowered;
	[smem:$0x3FD2] =	sst s26  }
0x1e: {  	s4 =	sshll.u32 s27, $0x1;
	_ =	strace $0x80000052;
	[dreg:$0x1] =	wrdreg $0xFFFFFFFF  }
0x1f: {  	s28 =	simm.s32 $_size_execute0_lowered;
	s1 =	sadd.s32 s1, s4;
	[dreg:$0x0] =	wrdreg $0x0  }
0x20: {  	s4 =	sshll.u32 s28, $0x1;
	[dreg:$0x2] =	wrdreg s1  }
0x21: {  	[dreg:$0x3] =	wrdreg s4  }
0x22: {  	[dreg:$0x4] =	wrdreg $0xC0  }
0x23: {  	_ =	task [dreg:s6], $0x5FFFF  }
0x24: {  	[dreg:$0x1] =	wrdreg $0xFFFFFFFF  }
0x25: {  	[dreg:$0x0] =	wrdreg $0x60  }
0x26: {  	[dreg:$0x2] =	wrdreg s25  }
0x27: {  	[dreg:$0x3] =	wrdreg $0x9  }
0x28: {  	_ =	task.clear_ibuf [dreg:s6], $0x4FFFF;
	_ =	strace $0x90000052  }
0x29: {  	s29 =	simm.s32 $0x9;
	_ =	strace $0x80000054  }
0x2a: {  	_ =	swait.ge [sflag:s29], $0x1  }
0x2b: {  	[sflag:s29] =	ssyncadd.s32 $0xFFFFFFFF  }
0x2c: {  	_ =	strace $0x90000054  }
0x2d: {  	_ =	sfence  }
0x2e: {  	s30 =	sld [smem:$0x0];
	_ =	sdelay $0x2  }
0x2f: {  	s31 =	sshll.u32 s3, $0xD;
	s3 =	sshrl.u32 s3, $0x2  }
0x30: {  	s2 =	sand.u32 $0x4000, s31;
	s1 =	sadd.s32 s3, s30  }
0x31: {  	s0 =	sor.u32 s2, s0;
	s1 =	sshll.u32 s1, $0x11  }
0x32: {  	s0 =	sor.u32 s1, s0  }
0x33: {  	s0 =	sadd.s32 $0x8F2B, s0  }
0x34: {  	[sflag:s0] =	ssyncadd.remote.s32 $0x1  }
0x35: {  	_ =	sfence.sel $0xFFFF  }
0x36: {  	[dreg:$0x0] =	wrdreg $0xFFFFFFFF;
	(pc) =	sbr.abs _section_cstart, $3  }
0x37: {  	[dreg:$0x1] =	wrdreg $0xFFFFFFFF  }
0x38: {  	_ =	task.clear_ibuf [dreg:s6], $0x2FFFF;
	_ =	strace $0x9FFFFFFF  }
0x39: {  	(tm) =	ssettm $0x7FFFFFFF  }
tec
execute0_lowered:
.L_overlay_start_1:
0x0: {  	(tag) =	ssettag $0x1  }
0x1: {  	s7 =	rddreg [dreg:$0x0]  }
0x2: {  	s1 =	stileid.u32;
	s3 =	srdreg.scid  }
0x3: {  	s0 =	rddreg [dreg:$0x1];
	_ =	strace $0x80000053;
	s8 =	simm.s32 $0x1  }
0x4: {  	s31 =	simm.s32 $0x2;
	s14 =	simm.s32 $0x0;
	s13 =	simm.s32 $0x0  }
0x5: {  	s12 =	simm.s32 $0x0;
	s2 =	sshll.u32 s1, $0x7;
	s3 =	sshll.u32 s3, $0x7  }
0x6: {  	s3 =	sand.u32 $0x80, s3;
	s4 =	ssub.s32 $0x800, s2;
	s11 =	smov.u32 s2  }
0x7: {  	s5 =	sshrl.u32 s4, $0xB;
	s4 =	sand.u32 $0x780, s4;
	s6 =	ssub.s32 $0x5000, s3  }
0x8: {  	p0 =	sne.s32 s4, $0x0;
	s30 =	sshrl.u32 s6, $0x7;
	s6 =	sshrl.u32 s6, $0x8  }
.Ltmp0:
0x9: {  	s8 =	simm.s32 @!p0 $0x0;
	s9 =	sand.u32 $0x1, s30;
	(pc) =	sbr.rel .LBB1_1-.Ltmp0, $4  }
0xa: {  	s4 =	simm.s32 $0x1;
	s5 =	sadd.s32 s8, s5;
	s6 =	sadd.s32 s6, s9  }
0xb: {  	s10 =	smov.u32 s3;
	[sflag:s4] =	ssyncpa.u1 $0x0;
	s5 =	smul.u32 s5, s6  }
0xc: {  	p0 =	por $0x0, $0x0;
	[sflag:s31] =	ssyncpa.u1 $0x0;
	s9 =	simm.s32 $0x4000  }
0xd: {  	s6 =	sadd.s32 $0x9E1C00, s7;
	s7 =	sadd.s32 $0x261C00, s7;
	s8 =	sadd.s32 $0x1, s5  }
.LBB1_4:
0xe: {  	v5 =	vld [tilespmem:s18+$0xFFFFFFD0];
	[tilespmem:s17+$0x2040 ss:$0x81] =	vst.msk $0xffff, v4;
	s20 =	sshll.u32 s14, $0xB;
	s21 =	sshll.u32 s13, $0x3  }
0xf: {  	v58 =	vld [tilespmem:s18+$0xFFFFFFE0];
	[tilespmem:s17+$0x2850 ss:$0x81] =	vst.msk $0xffff, v3;
	s20 =	sand.u32 $0xFFFFC000, s20;
	s22 =	sand.u32 $0xFFFFFC00, s21  }
0x10: {  	s19 =	sshra.s32 s19, $0x2;
	v59 =	vld [tilespmem:s18+$0xFFFFFFF0];
	[tilespmem:s17+$0x3060 ss:$0x81] =	vst.msk $0xffff, v2;
	s20 =	sadd.s32 s22, s20  }
0x11: {  	v60 =	vld [tilespmem:s18+$0x0];
	[tilespmem:s17+$0x0 ss:$0x81] =	vst.msk $0xffff, v0;
	s16 =	sadd.s32 s19, s16;
	s26 =	sshrl.u32 s20, $0xB  }
0x12: {  	v61 =	vld [tilespmem:s18+$0x10];
	[tilespmem:s16+$0x3870 ss:$0x81] =	vst.msk $0xffff, v1;
	s27 =	smulhi.u32 $0xCCCCD, s26  }
0x13: {  	v62 =	vld [tilespmem:s18+$0x20];
	s28 =	sand.u32 $0x78, s13;
	[tilespmem:s16+$0x810 ss:$0x81] =	vst.msk $0xffff, v5  }
0x14: {  	v63 =	vld [tilespmem:s18+$0xFFFFFFC0];
	s29 =	sshll.u32 s14, $0x7;
	s30 =	sand.u32 $0x400, s21;
	[tilespmem:s16+$0x1020 ss:$0x81] =	vst.msk $0xffff, v58;
	s19 =	sshrl.u32 s27, $0x2  }
0x15: {  	s14 =	sand.u32 $0x380, s29;
	s18 =	sor.u32 s28, s30;
	[tilespmem:s16+$0x1830 ss:$0x81] =	vst.msk $0xffff, v59;
	s19 =	smul.u32 $0x5000, s19  }
0x16: {  	s14 =	sor.u32 s14, s18;
	[tilespmem:s16+$0x2040 ss:$0x81] =	vst.msk $0xffff, v60  }
0x17: {  	s31 =	sand.u32 $0x7, s13;
	s14 =	sshrl.u32 s14, $0x3;
	[tilespmem:s16+$0x2850 ss:$0x81] =	vst.msk $0xffff, v61;
	s17 =	ssub.s32 s26, s19  }
0x18: {  	s13 =	sshll.u32 s31, $0x12;
	[tilespmem:s16+$0x3060 ss:$0x81] =	vst.msk $0xffff, v62;
	s14 =	sadd.s32 s7, s14;
	s17 =	sshll.u32 s17, $0x8  }
0x19: {  	s13 =	sor.u32 $0x400, s13;
	[tilespmem:s16+$0x0 ss:$0x81] =	vst.msk $0xffff, v63;
	s14 =	sadd.s32 s17, s14  }
0x1a: {  	[hbm4b:s14+s13] =	stream.strided.scatter [tilespmem:s15], [sflag:$0x2], $0x4000, s9, s13, $0x20;
	[tilespmem:$0x10100] =	vst v63  }
.LBB1_5:
0x1b: {  	s15 =	sadd.s32 $0x100, s10  }
0x1c: {  	s13 =	sadd.s32 $0x800, s11;
	s17 =	smov.u32 s11;
	p2 =	sgt.s32 s15, $0x4FFF  }
0x1d: {  	s17 =	smov.u32 @p2 s13  }
0x1e: {  	s15 =	smov.u32 @p2 s3;
	p2 =	sgt.s32 s17, $0x7FF  }
0x1f: {  	s17 =	smov.u32 @p2 s2;
	p2 =	sne.s32 s12, s8  }
.Ltmp1:
0x20: {  	p1 =	slt.u32 s12, $0x2;
	(pc) =	sbr.rel @!p2 .LBB1_6-.Ltmp1, $4  }
0x21: {  	s16 =	simm.s32 @!p1 $0x2  }
0x22: {  	s14 =	smov.u32 s10;
	p0 =	por !p0, !p0;
	_ =	swait.ge @!p1 [sflag:s16], $0x4000  }
0x23: {  	s13 =	smov.u32 s11;
	[sflag:s16] =	ssyncset.done @!p1 $0x0;
	s10 =	smov.u32 s15  }
0x24: {  	s12 =	sadd.s32 $0x1, s12;
	[sflag:s16] =	ssyncadd.s32 @!p1 $0xFFFFC000;
	s11 =	smov.u32 s17  }
.LBB1_1:
0x25: {  	p1 =	sge.u32 s12, s5  }
0x26: {  	s15 =	sshrl.u32 @!p1 s11, $0x3  }
0x27: {  	s16 =	sshll.u32 @!p1 s10, $0x3;
	s17 =	sshll.u32 @!p1 s11, $0x7;
	s15 =	smul.u32 @!p1 $0x28000, s15  }
0x28: {  	s18 =	sand.u32 @!p1 $0x7F, s10;
	s16 =	sand.u32 @!p1 $0xFFFFFC00, s16;
	s17 =	sand.u32 @!p1 $0x380, s17  }
0x29: {  	s15 =	sadd.s32 @!p1 s15, s16;
	s16 =	sor.u32 @!p1 s18, s17  }
0x2a: {  	s16 =	sor.u32 @!p1 s15, s16  }
0x2b: {  	s17 =	smulhi.u32 @!p1 $0xCCCCCCCD, s16;
	_ =	sdelay $0x1  }
0x2c: {  	s15 =	smulhi.u32 @!p1 $0xCCCCCCCD, s15;
	s17 =	sshrl.u32 @!p1 s17, $0xE  }
0x2d: {  	s17 =	smul.u32 @!p1 $0x5000, s17  }
0x2e: {  	s31 =	sadd.s32 $0xFFFFFFFF, s12;
	s18 =	sxor.u32 @!p1 $0xFFFFFFFF, s12;
	s15 =	sshrl.u32 @!p1 s15, $0xE  }
0x2f: {  	s18 =	sshll.u32 @!p1 s18, $0xE;
	s15 =	sand.u32 @!p1 $0x7FF, s15;
	s16 =	ssub.s32 @!p1 s16, s17  }
0x30: {  	s15 =	smul.u32 @!p1 $0xA00, s15;
	s17 =	sshrl.u32 @!p1 s16, $0x3;
	s16 =	sand.u32 @!p1 $0x7, s16  }
0x31: {  	s18 =	sand.u32 @!p1 $0x4000, s18;
	s17 =	sadd.s32 @!p1 s6, s17;
	s16 =	sshll.u32 @!p1 s16, $0x12  }
0x32: {  	s15 =	sadd.s32 @!p1 s15, s17;
	s16 =	sor.u32 @!p1 $0x400, s16;
	s17 =	simm.s32 @!p1 $0x28000  }
0x33: {  	[tilespmem:s18], [sflag:$0x1] =	stream.strided.gather @!p1 [hbm4b:s15+s16], $0x4000, s17, s16, $0x38;
	[tilespmem:$0x10100] =	vst v63  }
0x34: {  	p1 =	sge.u32 s31, s5  }
.Ltmp2:
0x35: {  	_ = 	snop;
	(pc) =	sbr.rel @p1 .LBB1_5-.Ltmp2, $1  }
0x36: {  	_ =	sdelay $0x3  }
0x37: {  	s15 =	simm.s32 $0x1  }
0x38: {  	_ =	swait.ge [sflag:s4], $0x4000;
	s15 =	simm.s32 @!p0 $0x0  }
0x39: {  	[sflag:s4] =	ssyncset.done $0x0;
	s16 =	sshll.u32 s15, $0xE  }
0x3a: {  	[sflag:s4] =	ssyncadd.s32 $0xFFFFC000;
	s18 =	sor.u32 $0x40, s16  }
0x3b: {  	s15 =	smul.u32 $0x10200, s15;
	v0 =	vld [tilespmem:s18+$0x30]  }
0x3c: {  	v1 =	vld [tilespmem:s18+$0xFFFFFFD0]  }
0x3d: {  	s15 =	sshrl.u32 s15, $0x2;
	v5 =	vld [tilespmem:s18+$0xFFFFFFE0]  }
0x3e: {  	v6 =	vld [tilespmem:s18+$0xFFFFFFF0];
	s16 =	sor.u32 $0x8000, s15  }
0x3f: {  	s31 =	sand.u32 $0x1, s12;
	v4 =	vld [tilespmem:s18+$0x0];
	s17 =	sadd.s32 $0x0, s16  }
0x40: {  	v3 =	vld [tilespmem:s18+$0x10];
	s15 =	smul.u32 $0x10200, s31;
	[tilespmem:s17+$0x3870 ss:$0x81] =	vst.msk $0xffff, v0  }
0x41: {  	v2 =	vld [tilespmem:s18+$0x20];
	[tilespmem:s17+$0x810 ss:$0x81] =	vst.msk $0xffff, v1  }
0x42: {  	s15 =	sshrl.u32 s15, $0x2;
	v0 =	vld [tilespmem:s18+$0xFFFFFFC0];
	[tilespmem:s17+$0x1020 ss:$0x81] =	vst.msk $0xffff, v5;
	s18 =	sadd.s32 $0x80, s18  }
0x43: {  	s19 =	simm.s32 $0x4;
	s20 =	simm.s32 $0x8;
	s15 =	sor.u32 $0x8000, s15;
	[tilespmem:s17+$0x1830 ss:$0x81] =	vst.msk $0xffff, v6;
	v1 =	vld [tilespmem:s18+$0x30]  }
.LBB1_3:
0x44: {  	p1 =	sne.s32 s20, $0x1FC;
	v5 =	vld [tilespmem:s18+$0xFFFFFFD0];
	[tilespmem:s17+$0x2040 ss:$0x81] =	vst.msk $0xffff, v4  }
0x45: {  	v6 =	vld [tilespmem:s18+$0xFFFFFFE0];
	[tilespmem:s17+$0x2850 ss:$0x81] =	vst.msk $0xffff, v3  }
0x46: {  	s21 =	sshra.s32 s19, $0x2;
	s19 =	smov.u32 s20;
	v7 =	vld [tilespmem:s18+$0xFFFFFFF0];
	[tilespmem:s17+$0x3060 ss:$0x81] =	vst.msk $0xffff, v2  }
.Ltmp3:
0x47: {  	v4 =	vld [tilespmem:s18+$0x0];
	[tilespmem:s17+$0x0 ss:$0x81] =	vst.msk $0xffff, v0;
	s17 =	sadd.s32 s21, s16;
	(pc) =	sbr.rel @p1 .LBB1_3-.Ltmp3, $4  }
0x48: {  	v3 =	vld [tilespmem:s18+$0x10];
	[tilespmem:s17+$0x3870 ss:$0x81] =	vst.msk $0xffff, v1  }
0x49: {  	[tilespmem:s17+$0x810 ss:$0x81] =	vst.msk $0xffff, v5;
	v2 =	vld [tilespmem:s18+$0x20]  }
0x4a: {  	v0 =	vld [tilespmem:s18+$0xFFFFFFC0];
	[tilespmem:s17+$0x1020 ss:$0x81] =	vst.msk $0xffff, v6;
	s18 =	sadd.s32 $0x80, s18  }
0x4b: {  	s20 =	sadd.s32 $0x4, s20;
	v1 =	vld [tilespmem:s18+$0x30];
	[tilespmem:s17+$0x1830 ss:$0x81] =	vst.msk $0xffff, v7  }
.Ltmp4:
0x4c: {  	_ = 	snop;
	(pc) =	sbr.rel .LBB1_4-.Ltmp4, $1  }
0x4d: {  	_ =	sdelay $0x3  }
.LBB1_6:
0x4e: {  	_ =	sfence.sel $0x180000  }
0x4f: {  	s2 =	simm.s32 $0x1;
	[bflag:$0x0] =	sbarrier.arrive $0xFFFF  }
0x50: {  	s31 =	simm.s32 $0x2;
	[sflag:s2] =	ssyncpa.u1 $0x1  }
0x51: {  	[sflag:s31] =	ssyncpa.u1 $0x1  }
0x52: {  	p0 =	sne.s32 s1, $0x0;
	_ =	strace $0x90000053  }
0x53: {  	s0 =	sadd.s32 @!p0 $0x100000, s0;
	[bflag:$0x2] =	sbarrier.arrive $0xFFFF  }
0x54: {  	[sflag:s0] =	ssyncadd.tile.s32 @!p0 $0x1;
	_ =	shalt  }
.Lfunc_end1:
_tile_overlayer_lowered:
.L_overlay_start_2:
0x55: {  	(tag) =	ssettag $0x2  }
0x56: {  	s0 =	rddreg [dreg:$0x0];
	s2 =	stileid.u32  }
0x57: {  	s1 =	rddreg [dreg:$0x1];
	p0 =	sne.s32 s2, $0x0  }
0x58: {  	s3 =	rddreg [dreg:$0x2];
	[bflag:$0x3] =	sbarrier.arrive $0xFFFF;
	s2 =	simm.s32 @!p0 $0x1C01  }
0x59: {  	[timem:s3], [sflag:s2] =	dma.local @!p0 [hbm:s0], s1  }
0x5a: {  	s0 =	simm.s32 @!p0 $0x1  }
0x5b: {  	_ =	swait.ge @!p0 [sflag:s0], s1  }
0x5c: {  	s1 =	ssub.s32 @!p0 $0x0, s1;
	[sflag:s0] =	ssyncset.done @!p0 $0x0  }
0x5d: {  	[sflag:s0] =	ssyncadd.s32 @!p0 s1  }
0x5e: {  	[bflag:$0x3] =	sbarrier.arrive $0xFFFF  }
0x5f: {  	_ =	shalt  }

</sc_bundles>
